<compile_context>
chip_gen: v7x
topology: tpu7x:2x2x1
jax: 0.10.2.dev20260603
libtpu: 0.0.44.dev20260713+nightly
codegen_flags: <defaults>
</compile_context>

<pallas_src>
import functools

import jax
import jax.numpy as jnp
from jax import lax
from jax.experimental import pallas as pl
from jax.experimental.pallas import tpu as pltpu
from jax.experimental.pallas import tpu_sc as plsc

POS_IOU_THR = 0.5
NEG_IOU_THR = 0.4

NUM_CORES = 2
NUM_SUBCORES = 16
LANES = 16
NW = NUM_CORES * NUM_SUBCORES


CHUNKS_PER_STEP = 2
GT_UNROLL = 4


@functools.lru_cache(maxsize=None)
def _build_assign(sc_n: int, num_gt: int):
    per_w = sc_n // NW
    chunks = per_w // LANES
    assert per_w % 128 == 0 and chunks % CHUNKS_PER_STEP == 0
    gstride = num_gt * LANES
    mesh = plsc.VectorSubcoreMesh(core_axis_name="c", subcore_axis_name="s",
                                  num_cores=NUM_CORES)

    @functools.partial(
        pl.kernel,
        mesh=mesh,
        out_type=(
            jax.ShapeDtypeStruct((sc_n,), jnp.int32),
            jax.ShapeDtypeStruct((sc_n,), jnp.float32),
            jax.ShapeDtypeStruct((sc_n,), jnp.int32),
        ),
        scratch_types=[
            pltpu.VMEM((4, per_w), jnp.float32),
            pltpu.VMEM((5 * gstride,), jnp.float32),
            pltpu.VMEM((gstride,), jnp.int32),
            pltpu.VMEM((per_w,), jnp.int32),
            pltpu.VMEM((per_w,), jnp.float32),
            pltpu.VMEM((per_w,), jnp.int32),
            pltpu.VMEM((8 * (num_gt // 8 + 1) * 8,), jnp.float32),
        ],
    )
    def assign(coords_hbm, tgt_hbm,
               inds_hbm, maxov_hbm, albl_hbm,
               coords_v, gt_v, lbl_v, inds_v, maxov_v, albl_v, tgt_v):
        wid = lax.axis_index("s") * NUM_CORES + lax.axis_index("c")
        base = wid * per_w
        pltpu.sync_copy(coords_hbm.at[:, pl.ds(base, per_w)], coords_v)
        pltpu.sync_copy(tgt_hbm, tgt_v)

        def build_body(j, carry):
            row = tgt_v[pl.ds(j * 8, LANES)]
            lab = row[4]
            k = lab != -1.0
            gx1 = jnp.where(k, row[0], 0.0)
            gy1 = jnp.where(k, row[1], 0.0)
            gx2 = jnp.where(k, row[2], 0.0)
            gy2 = jnp.where(k, row[3], 0.0)
            ga = (jnp.maximum(gx2 - gx1, 0.0) *
                  jnp.maximum(gy2 - gy1, 0.0))
            j16 = j * LANES
            gt_v[pl.ds(j16, LANES)] = jnp.full((LANES,), gx1)
            gt_v[pl.ds(j16 + gstride, LANES)] = jnp.full((LANES,), gy1)
            gt_v[pl.ds(j16 + 2 * gstride, LANES)] = jnp.full((LANES,), gx2)
            gt_v[pl.ds(j16 + 3 * gstride, LANES)] = jnp.full((LANES,), gy2)
            gt_v[pl.ds(j16 + 4 * gstride, LANES)] = jnp.full((LANES,), ga)
            lbl_v[pl.ds(j16, LANES)] = jnp.full(
                (LANES,), lab).astype(jnp.int32)
            return carry

        lax.fori_loop(0, num_gt, build_body, 0)

        nC = CHUNKS_PER_STEP

        def chunk_body(c, carry):
            offs = [c * (nC * LANES) + k * LANES for k in range(nC)]
            ax1 = [coords_v[0, pl.ds(o, LANES)] for o in offs]
            ay1 = [coords_v[1, pl.ds(o, LANES)] for o in offs]
            ax2 = [coords_v[2, pl.ds(o, LANES)] for o in offs]
            ay2 = [coords_v[3, pl.ds(o, LANES)] for o in offs]
            area1 = [(jnp.maximum(ax2[k] - ax1[k], 0.0) *
                      jnp.maximum(ay2[k] - ay1[k], 0.0)) for k in range(nC)]

            def gt_body(j, bcarry):
                best, bestj, bestl = bcarry
                j16 = j * LANES
                gx1 = gt_v[pl.ds(j16, LANES)]
                gy1 = gt_v[pl.ds(j16 + gstride, LANES)]
                gx2 = gt_v[pl.ds(j16 + 2 * gstride, LANES)]
                gy2 = gt_v[pl.ds(j16 + 3 * gstride, LANES)]
                ga = gt_v[pl.ds(j16 + 4 * gstride, LANES)]
                glb = lbl_v[pl.ds(j16, LANES)]
                jvec = jnp.full((LANES,), j, jnp.int32)
                best, bestj, bestl = list(best), list(bestj), list(bestl)
                for k in range(nC):
                    iw = jnp.maximum(
                        jnp.minimum(ax2[k], gx2) - jnp.maximum(ax1[k], gx1),
                        0.0)
                    ih = jnp.maximum(
                        jnp.minimum(ay2[k], gy2) - jnp.maximum(ay1[k], gy1),
                        0.0)
                    inter = iw * ih
                    union = (area1[k] + ga) - inter
                    iou = inter / jnp.maximum(union, 1e-10)
                    upd = iou > best[k]
                    best[k] = jnp.where(upd, iou, best[k])
                    bestj[k] = jnp.where(upd, jvec, bestj[k])
                    bestl[k] = jnp.where(upd, glb, bestl[k])
                return tuple(best), tuple(bestj), tuple(bestl)

            best0 = tuple(jnp.full((LANES,), -1.0, jnp.float32)
                          for _ in range(nC))
            bestj0 = tuple(jnp.zeros((LANES,), jnp.int32) for _ in range(nC))
            best, bestj, bestl = lax.fori_loop(
                0, num_gt, gt_body, (best0, bestj0, bestj0),
                unroll=GT_UNROLL)

            for k in range(nC):
                pos = best[k] > POS_IOU_THR
                neg = best[k] < NEG_IOU_THR
                inds = jnp.where(
                    pos, bestj[k] + 1,
                    jnp.where(neg, jnp.full((LANES,), 0, jnp.int32),
                              jnp.full((LANES,), -1, jnp.int32)))
                albl = jnp.where(pos, bestl[k],
                                 jnp.full((LANES,), -1, jnp.int32))
                inds_v[pl.ds(offs[k], LANES)] = inds
                maxov_v[pl.ds(offs[k], LANES)] = best[k]
                albl_v[pl.ds(offs[k], LANES)] = albl
            return carry

        lax.fori_loop(0, chunks // nC, chunk_body, 0)
        pltpu.sync_copy(inds_v, inds_hbm.at[pl.ds(base, per_w)])
        pltpu.sync_copy(maxov_v, maxov_hbm.at[pl.ds(base, per_w)])
        pltpu.sync_copy(albl_v, albl_hbm.at[pl.ds(base, per_w)])

    return assign


TC_BLOCK = 2048
SC_N = 4096


@functools.lru_cache(maxsize=None)
def _build_tc_assign(num_anchors: int, sc_n: int, num_gt_pad: int):
    tc_real = num_anchors - sc_n
    nblk = (tc_real + TC_BLOCK - 1) // TC_BLOCK
    col0 = sc_n // TC_BLOCK

    def body(coords_ref, tgt_ref, inds_ref, maxov_ref, albl_ref):
        ax1 = coords_ref[0:1, :]
        ay1 = coords_ref[1:2, :]
        ax2 = coords_ref[2:3, :]
        ay2 = coords_ref[3:4, :]
        area1 = (jnp.maximum(ax2 - ax1, 0.0) *
                 jnp.maximum(ay2 - ay1, 0.0))
        tlab = tgt_ref[:, 4:5]
        keep = tlab != -1.0
        gx1 = jnp.where(keep, tgt_ref[:, 0:1], 0.0)
        gy1 = jnp.where(keep, tgt_ref[:, 1:2], 0.0)
        gx2 = jnp.where(keep, tgt_ref[:, 2:3], 0.0)
        gy2 = jnp.where(keep, tgt_ref[:, 3:4], 0.0)
        ga = (jnp.maximum(gx2 - gx1, 0.0) *
              jnp.maximum(gy2 - gy1, 0.0))
        lbl = tlab.astype(jnp.int32)
        iw = jnp.maximum(jnp.minimum(ax2, gx2) - jnp.maximum(ax1, gx1), 0.0)
        ih = jnp.maximum(jnp.minimum(ay2, gy2) - jnp.maximum(ay1, gy1), 0.0)
        inter = iw * ih
        union = (area1 + ga) - inter
        iou = inter / jnp.maximum(union, 1e-10)
        mx = jnp.max(iou, axis=0, keepdims=True)
        sub = lax.broadcasted_iota(jnp.int32, iou.shape, 0)
        am = jnp.min(jnp.where(iou == mx, sub, num_gt_pad),
                     axis=0, keepdims=True)
        lblv = jnp.max(jnp.where(sub == am, lbl,
                                 jnp.int32(-2147483648)),
                       axis=0, keepdims=True)
        pos = mx > POS_IOU_THR
        neg = mx < NEG_IOU_THR
        inds_ref[...] = jnp.where(
            pos, am + 1,
            jnp.where(neg, jnp.int32(0), jnp.int32(-1)))[0]
        maxov_ref[...] = mx[0]
        albl_ref[...] = jnp.where(pos, lblv, jnp.int32(-1))[0]

    return pl.pallas_call(
        body,
        grid=(nblk,),
        in_specs=[
            pl.BlockSpec((4, TC_BLOCK), lambda i: (0, col0 + i)),
            pl.BlockSpec((num_gt_pad, 8), lambda i: (0, 0)),
        ],
        out_specs=[
            pl.BlockSpec((TC_BLOCK,), lambda i: (i,)),
            pl.BlockSpec((TC_BLOCK,), lambda i: (i,)),
            pl.BlockSpec((TC_BLOCK,), lambda i: (i,)),
        ],
        out_shape=[
            jax.ShapeDtypeStruct((tc_real,), jnp.int32),
            jax.ShapeDtypeStruct((tc_real,), jnp.float32),
            jax.ShapeDtypeStruct((tc_real,), jnp.int32),
        ],
    )


def kernel(bboxes, targets):
    num_anchors = bboxes.shape[0]
    num_gt = targets.shape[0]
    if num_gt == 0:
        return None

    num_gt_pad = (num_gt // 8 + 1) * 8
    tgt_pad = jnp.pad(targets, ((0, num_gt_pad - num_gt), (0, 3)))

    sc_n = min(SC_N, (num_anchors // 4096) * 4096)
    coords = bboxes.T

    parts = []
    if num_anchors - sc_n > 0:
        assign_tc = _build_tc_assign(num_anchors, sc_n, num_gt_pad)
        parts.append(assign_tc(coords, tgt_pad))
    if sc_n > 0:
        assign_sc = _build_assign(sc_n, num_gt)
        parts.insert(0, assign_sc(coords, tgt_pad.reshape(-1)))
    if len(parts) == 1:
        return tuple(parts[0])
    return tuple(jnp.concatenate([a, b]) for a, b in zip(*parts))

# --- scband reference (transcript-rebuilt; emitter-appended) ---
"""Pipeline reference for scband-max-iou-assigner-74036646249056 (READ-ONLY COPY).

The authoritative reference and input builder live on the scoring server;
editing this copy changes nothing except your own understanding.
"""

import jax, jax.numpy as jnp
import numpy as np

POS_IOU_THR = 0.5
NEG_IOU_THR = 0.4


def iou_xyxy(boxes1, boxes2):
    # boxes1: [N,4], boxes2: [M,4] in xyxy; returns [N,M] IoU matrix
    area1 = jnp.clip(boxes1[:, 2] - boxes1[:, 0], 0) * jnp.clip(boxes1[:, 3] - boxes1[:, 1], 0)
    area2 = jnp.clip(boxes2[:, 2] - boxes2[:, 0], 0) * jnp.clip(boxes2[:, 3] - boxes2[:, 1], 0)
    lt = jnp.maximum(boxes1[:, None, :2], boxes2[None, :, :2])
    rb = jnp.minimum(boxes1[:, None, 2:], boxes2[None, :, 2:])
    wh = jnp.clip(rb - lt, 0)
    inter = wh[..., 0] * wh[..., 1]
    union = area1[:, None] + area2[None, :] - inter
    return inter / jnp.maximum(union, 1e-10)


def setup_inputs(seed: int = 0) -> dict:
    key = jax.random.key(seed)
    k1, k2 = jax.random.split(key)
    bboxes = jax.random.uniform(k1, (20000, 4), dtype=jnp.float32)
    targets = jax.random.uniform(k2, (100, 5), dtype=jnp.float32)
    return {"bboxes": bboxes, "targets": targets}


def reference(bboxes, targets):
    if targets.shape[0] == 0:
        return None
    # filter out rows whose label == -1 (none here, but keep faithful)
    keep = targets[:, 4] != -1
    gt_bboxes = targets[:, :4]
    gt_labels = targets[:, 4]
    num_gt = gt_bboxes.shape[0]
    num_bboxes = bboxes.shape[0]
    overlaps = iou_xyxy(bboxes, gt_bboxes)  # [N, M]
    overlaps = jnp.where(keep[None, :], overlaps, jnp.float32(-1.0))
    max_overlaps = overlaps.max(axis=1)
    argmax_overlaps = overlaps.argmax(axis=1)
    assigned_gt_inds = jnp.full((num_bboxes,), -1, dtype=jnp.int32)
    neg_mask = max_overlaps < NEG_IOU_THR
    pos_mask = max_overlaps > POS_IOU_THR
    assigned_gt_inds = jnp.where(pos_mask, argmax_overlaps.astype(jnp.int32) + 1, assigned_gt_inds)
    assigned_gt_inds = jnp.where(neg_mask, jnp.int32(0), assigned_gt_inds)
    gather_idx = jnp.clip(assigned_gt_inds - 1, 0, num_gt - 1)
    assigned_labels = jnp.where(pos_mask, gt_labels[gather_idx].astype(jnp.int32), jnp.int32(-1))
    return (assigned_gt_inds, max_overlaps, assigned_labels)

if __name__ == "__main__":
    import jax
    _d = setup_inputs()
    print(jax.jit(kernel)(*tuple(_d.values())))

</pallas_src>

<mosaic_0001>
#map = affine_map<(d0, d1) -> (0, 0)>
#map1 = affine_map<(d0, d1) -> (0)>
module attributes {stable_mosaic.version = 14 : i64} {
  func.func @assign(%arg0: i32, %arg1: i32, %arg2: memref<4x20000xf32, #tpu.memory_space<hbm>>, %arg3: memref<832xf32, #tpu.memory_space<hbm>>, %arg4: memref<4096xi32, #tpu.memory_space<hbm>>, %arg5: memref<4096xf32, #tpu.memory_space<hbm>>, %arg6: memref<4096xi32, #tpu.memory_space<hbm>>, %arg7: memref<4x128xf32, #tpu.memory_space<vmem>>, %arg8: memref<8000xf32, #tpu.memory_space<vmem>>, %arg9: memref<1600xi32, #tpu.memory_space<vmem>>, %arg10: memref<128xi32, #tpu.memory_space<vmem>>, %arg11: memref<128xf32, #tpu.memory_space<vmem>>, %arg12: memref<128xi32, #tpu.memory_space<vmem>>, %arg13: memref<832xf32, #tpu.memory_space<vmem>>) attributes {dimension_semantics = [#tpu.dimension_semantics<core_parallel>, #tpu.dimension_semantics<subcore_parallel>], iteration_bounds = array<i64: 2, 16>, scalar_prefetch = 0 : i64, scratch_operands = 7 : i64, tpu.core_type = #tpu.core_type<sc_vector_subcore>, window_params = [{transform_indices = #map}, {transform_indices = #map1}, {transform_indices = #map1}, {transform_indices = #map1}, {transform_indices = #map1}]} {
    %mul3A = arith.constant 2 : i32
    %mul3A_0 = arith.muli %arg1, %mul3A : i32
    %add3A = arith.addi %mul3A_0, %arg0 : i32
    %mul3A_1 = arith.constant 128 : i32
    %mul3A_2 = arith.muli %add3A, %mul3A_1 : i32
    "tpu.region"() ({
      %run_scoped3A = tpu.sem_alloc : memref<!tpu.dma_semaphore, #tpu.memory_space<semaphore_mem>>
      %dma_start3A = arith.constant 0 : i32
      %dma_start3A_14 = tpu.memref_slice %arg2[%dma_start3A, %mul3A_2] : memref<4x20000xf32, #tpu.memory_space<hbm>> -> memref<4x128xf32, #tpu.memory_space<hbm>>
      %dma_start3A_15 = arith.constant 0 : i32
      %dma_start3A_16 = tpu.memref_slice %arg2[%dma_start3A_15, %mul3A_2] : memref<4x20000xf32, #tpu.memory_space<hbm>> -> memref<4x128xf32, #tpu.memory_space<hbm>>
      tpu.enqueue_dma source(%dma_start3A_16 : memref<4x128xf32, #tpu.memory_space<hbm>>) target(%arg7 : memref<4x128xf32, #tpu.memory_space<vmem>>) target_semaphore(%run_scoped3A : memref<!tpu.dma_semaphore, #tpu.memory_space<semaphore_mem>>)
      %dma_wait3A = arith.constant 0 : i32
      %dma_wait3A_17 = tpu.memref_slice %arg2[%dma_wait3A, %mul3A_2] : memref<4x20000xf32, #tpu.memory_space<hbm>> -> memref<4x128xf32, #tpu.memory_space<hbm>>
      %dma_wait3A_18 = arith.constant 0 : i32
      %dma_wait3A_19 = tpu.memref_slice %arg2[%dma_wait3A_18, %mul3A_2] : memref<4x20000xf32, #tpu.memory_space<hbm>> -> memref<4x128xf32, #tpu.memory_space<hbm>>
      tpu.wait_dma2 semaphore(%run_scoped3A : memref<!tpu.dma_semaphore, #tpu.memory_space<semaphore_mem>>) src(%dma_wait3A_19 : memref<4x128xf32, #tpu.memory_space<hbm>>) dst(%arg7 : memref<4x128xf32, #tpu.memory_space<vmem>>)
      tpu.yield
    }) : () -> ()
    "tpu.region"() ({
      %run_scoped3A = tpu.sem_alloc : memref<!tpu.dma_semaphore, #tpu.memory_space<semaphore_mem>>
      tpu.enqueue_dma source(%arg3 : memref<832xf32, #tpu.memory_space<hbm>>) target(%arg13 : memref<832xf32, #tpu.memory_space<vmem>>) target_semaphore(%run_scoped3A : memref<!tpu.dma_semaphore, #tpu.memory_space<semaphore_mem>>)
      tpu.wait_dma2 semaphore(%run_scoped3A : memref<!tpu.dma_semaphore, #tpu.memory_space<semaphore_mem>>) src(%arg3 : memref<832xf32, #tpu.memory_space<hbm>>) dst(%arg13 : memref<832xf32, #tpu.memory_space<vmem>>)
      tpu.yield
    }) : () -> ()
    %scan3A = arith.constant 0 : i32
    %scan3A_3 = arith.constant 0 : i32
    %scan3A_4 = arith.constant 100 : i32
    %scan3A_5 = arith.addi %scan3A_3, %scan3A_4 : i32
    %scan3A_6 = arith.constant 1 : i32
    scf.for %scan3A_14 = %scan3A_3 to %scan3A_5 step %scan3A_6  : i32 {
      %mul3A_15 = arith.constant 8 : i32
      %mul3A_16 = arith.muli %scan3A_14, %mul3A_15 : i32
      %get3A = arith.index_cast %mul3A_16 : i32 to index
      %get3A_17 = tpu.vector_load %arg13[%get3A] {strides = array<i32>} : memref<832xf32, #tpu.memory_space<vmem>>, vector<16xf32>,
      %get3A_18 = vector.shape_cast %get3A_17 : vector<16xf32> to vector<16xf32>
      %slice3A = vector.extract_strided_slice %get3A_18 {offsets = [4], sizes = [1], strides = [1]} : vector<16xf32> to vector<1xf32>
      %squeeze3A = vector.extract %slice3A[0] : f32 from vector<1xf32>
      %ne3A = arith.constant -1.000000e+00 : f32
      %ne3A_19 = arith.cmpf one, %squeeze3A, %ne3A : f32
      %slice3A_20 = vector.extract_strided_slice %get3A_18 {offsets = [0], sizes = [1], strides = [1]} : vector<16xf32> to vector<1xf32>
      %squeeze3A_21 = vector.extract %slice3A_20[0] : f32 from vector<1xf32>
      %jit3A = arith.constant 0.000000e+00 : f32
      %select_n3A = arith.select %ne3A_19, %squeeze3A_21, %jit3A : f32
      %slice3A_22 = vector.extract_strided_slice %get3A_18 {offsets = [1], sizes = [1], strides = [1]} : vector<16xf32> to vector<1xf32>
      %squeeze3A_23 = vector.extract %slice3A_22[0] : f32 from vector<1xf32>
      %jit3A_24 = arith.constant 0.000000e+00 : f32
      %select_n3A_25 = arith.select %ne3A_19, %squeeze3A_23, %jit3A_24 : f32
      %slice3A_26 = vector.extract_strided_slice %get3A_18 {offsets = [2], sizes = [1], strides = [1]} : vector<16xf32> to vector<1xf32>
      %squeeze3A_27 = vector.extract %slice3A_26[0] : f32 from vector<1xf32>
      %jit3A_28 = arith.constant 0.000000e+00 : f32
      %select_n3A_29 = arith.select %ne3A_19, %squeeze3A_27, %jit3A_28 : f32
      %slice3A_30 = vector.extract_strided_slice %get3A_18 {offsets = [3], sizes = [1], strides = [1]} : vector<16xf32> to vector<1xf32>
      %squeeze3A_31 = vector.extract %slice3A_30[0] : f32 from vector<1xf32>
      %jit3A_32 = arith.constant 0.000000e+00 : f32
      %select_n3A_33 = arith.select %ne3A_19, %squeeze3A_31, %jit3A_32 : f32
      %sub3A = arith.subf %select_n3A_29, %select_n3A : f32
      %max3A = arith.constant 0.000000e+00 : f32
      %max3A_34 = arith.maximumf %sub3A, %max3A : f32
      %sub3A_35 = arith.subf %select_n3A_33, %select_n3A_25 : f32
      %max3A_36 = arith.constant 0.000000e+00 : f32
      %max3A_37 = arith.maximumf %sub3A_35, %max3A_36 : f32
      %mul3A_38 = arith.mulf %max3A_34, %max3A_37 : f32
      %mul3A_39 = arith.constant 16 : i32
      %mul3A_40 = arith.muli %scan3A_14, %mul3A_39 : i32
      %broadcast_in_dim3A = vector.broadcast %select_n3A : f32 to vector<16xf32>
      %swap3A = arith.index_cast %mul3A_40 : i32 to index
      %swap3A_41 = tpu.vector_load %arg8[%swap3A] {strides = array<i32>} : memref<8000xf32, #tpu.memory_space<vmem>>, vector<16xf32>,
      %swap3A_42 = vector.shape_cast %swap3A_41 : vector<16xf32> to vector<16xf32>
      %swap3A_43 = vector.shape_cast %broadcast_in_dim3A : vector<16xf32> to vector<16xf32>
      tpu.vector_store %arg8[%swap3A], %swap3A_43 {strides = array<i32>} : memref<8000xf32, #tpu.memory_space<vmem>>, vector<16xf32>,
      %broadcast_in_dim3A_44 = vector.broadcast %select_n3A_25 : f32 to vector<16xf32>
      %add3A_45 = arith.constant 1600 : i32
      %add3A_46 = arith.addi %mul3A_40, %add3A_45 : i32
      %swap3A_47 = arith.index_cast %add3A_46 : i32 to index
      %swap3A_48 = tpu.vector_load %arg8[%swap3A_47] {strides = array<i32>} : memref<8000xf32, #tpu.memory_space<vmem>>, vector<16xf32>,
      %swap3A_49 = vector.shape_cast %swap3A_48 : vector<16xf32> to vector<16xf32>
      %swap3A_50 = vector.shape_cast %broadcast_in_dim3A_44 : vector<16xf32> to vector<16xf32>
      tpu.vector_store %arg8[%swap3A_47], %swap3A_50 {strides = array<i32>} : memref<8000xf32, #tpu.memory_space<vmem>>, vector<16xf32>,
      %broadcast_in_dim3A_51 = vector.broadcast %select_n3A_29 : f32 to vector<16xf32>
      %add3A_52 = arith.constant 3200 : i32
      %add3A_53 = arith.addi %mul3A_40, %add3A_52 : i32
      %swap3A_54 = arith.index_cast %add3A_53 : i32 to index
      %swap3A_55 = tpu.vector_load %arg8[%swap3A_54] {strides = array<i32>} : memref<8000xf32, #tpu.memory_space<vmem>>, vector<16xf32>,
      %swap3A_56 = vector.shape_cast %swap3A_55 : vector<16xf32> to vector<16xf32>
      %swap3A_57 = vector.shape_cast %broadcast_in_dim3A_51 : vector<16xf32> to vector<16xf32>
      tpu.vector_store %arg8[%swap3A_54], %swap3A_57 {strides = array<i32>} : memref<8000xf32, #tpu.memory_space<vmem>>, vector<16xf32>,
      %broadcast_in_dim3A_58 = vector.broadcast %select_n3A_33 : f32 to vector<16xf32>
      %add3A_59 = arith.constant 4800 : i32
      %add3A_60 = arith.addi %mul3A_40, %add3A_59 : i32
      %swap3A_61 = arith.index_cast %add3A_60 : i32 to index
      %swap3A_62 = tpu.vector_load %arg8[%swap3A_61] {strides = array<i32>} : memref<8000xf32, #tpu.memory_space<vmem>>, vector<16xf32>,
      %swap3A_63 = vector.shape_cast %swap3A_62 : vector<16xf32> to vector<16xf32>
      %swap3A_64 = vector.shape_cast %broadcast_in_dim3A_58 : vector<16xf32> to vector<16xf32>
      tpu.vector_store %arg8[%swap3A_61], %swap3A_64 {strides = array<i32>} : memref<8000xf32, #tpu.memory_space<vmem>>, vector<16xf32>,
      %broadcast_in_dim3A_65 = vector.broadcast %mul3A_38 : f32 to vector<16xf32>
      %add3A_66 = arith.constant 6400 : i32
      %add3A_67 = arith.addi %mul3A_40, %add3A_66 : i32
      %swap3A_68 = arith.index_cast %add3A_67 : i32 to index
      %swap3A_69 = tpu.vector_load %arg8[%swap3A_68] {strides = array<i32>} : memref<8000xf32, #tpu.memory_space<vmem>>, vector<16xf32>,
      %swap3A_70 = vector.shape_cast %swap3A_69 : vector<16xf32> to vector<16xf32>
      %swap3A_71 = vector.shape_cast %broadcast_in_dim3A_65 : vector<16xf32> to vector<16xf32>
      tpu.vector_store %arg8[%swap3A_68], %swap3A_71 {strides = array<i32>} : memref<8000xf32, #tpu.memory_space<vmem>>, vector<16xf32>,
      %broadcast_in_dim3A_72 = vector.broadcast %squeeze3A : f32 to vector<16xf32>
      %convert_element_type3A = arith.fptosi %broadcast_in_dim3A_72 : vector<16xf32> to vector<16xi32>
      %swap3A_73 = arith.index_cast %mul3A_40 : i32 to index
      %swap3A_74 = tpu.vector_load %arg9[%swap3A_73] {strides = array<i32>} : memref<1600xi32, #tpu.memory_space<vmem>>, vector<16xi32>,
      %swap3A_75 = vector.shape_cast %swap3A_74 : vector<16xi32> to vector<16xi32>
      %swap3A_76 = vector.shape_cast %convert_element_type3A : vector<16xi32> to vector<16xi32>
      tpu.vector_store %arg9[%swap3A_73], %swap3A_76 {strides = array<i32>} : memref<1600xi32, #tpu.memory_space<vmem>>, vector<16xi32>,
    }
    %scan3A_7 = arith.constant 100 : i32
    %scan3A_8 = arith.constant 0 : i32
    %scan3A_9 = arith.constant 0 : i32
    %scan3A_10 = arith.constant 4 : i32
    %scan3A_11 = arith.addi %scan3A_9, %scan3A_10 : i32
    %scan3A_12 = arith.constant 1 : i32
    scf.for %scan3A_14 = %scan3A_9 to %scan3A_11 step %scan3A_12  : i32 {
      %mul3A_15 = arith.constant 32 : i32
      %mul3A_16 = arith.muli %scan3A_14, %mul3A_15 : i32
      %add3A_17 = arith.constant 0 : i32
      %add3A_18 = arith.addi %mul3A_16, %add3A_17 : i32
      %mul3A_19 = arith.constant 32 : i32
      %mul3A_20 = arith.muli %scan3A_14, %mul3A_19 : i32
      %add3A_21 = arith.constant 16 : i32
      %add3A_22 = arith.addi %mul3A_20, %add3A_21 : i32
      %get3A = arith.constant 0 : i32
      %get3A_23 = arith.index_cast %get3A : i32 to index
      %get3A_24 = arith.index_cast %add3A_18 : i32 to index
      %get3A_25 = tpu.vector_load %arg7[%get3A_23, %get3A_24] {strides = array<i32>} : memref<4x128xf32, #tpu.memory_space<vmem>>, vector<1x16xf32>,
      %get3A_26 = vector.shape_cast %get3A_25 : vector<1x16xf32> to vector<16xf32>
      %get3A_27 = arith.constant 0 : i32
      %get3A_28 = arith.index_cast %get3A_27 : i32 to index
      %get3A_29 = arith.index_cast %add3A_22 : i32 to index
      %get3A_30 = tpu.vector_load %arg7[%get3A_28, %get3A_29] {strides = array<i32>} : memref<4x128xf32, #tpu.memory_space<vmem>>, vector<1x16xf32>,
      %get3A_31 = vector.shape_cast %get3A_30 : vector<1x16xf32> to vector<16xf32>
      %get3A_32 = arith.constant 1 : i32
      %get3A_33 = arith.index_cast %get3A_32 : i32 to index
      %get3A_34 = arith.index_cast %add3A_18 : i32 to index
      %get3A_35 = tpu.vector_load %arg7[%get3A_33, %get3A_34] {strides = array<i32>} : memref<4x128xf32, #tpu.memory_space<vmem>>, vector<1x16xf32>,
      %get3A_36 = vector.shape_cast %get3A_35 : vector<1x16xf32> to vector<16xf32>
      %get3A_37 = arith.constant 1 : i32
      %get3A_38 = arith.index_cast %get3A_37 : i32 to index
      %get3A_39 = arith.index_cast %add3A_22 : i32 to index
      %get3A_40 = tpu.vector_load %arg7[%get3A_38, %get3A_39] {strides = array<i32>} : memref<4x128xf32, #tpu.memory_space<vmem>>, vector<1x16xf32>,
      %get3A_41 = vector.shape_cast %get3A_40 : vector<1x16xf32> to vector<16xf32>
      %get3A_42 = arith.constant 2 : i32
      %get3A_43 = arith.index_cast %get3A_42 : i32 to index
      %get3A_44 = arith.index_cast %add3A_18 : i32 to index
      %get3A_45 = tpu.vector_load %arg7[%get3A_43, %get3A_44] {strides = array<i32>} : memref<4x128xf32, #tpu.memory_space<vmem>>, vector<1x16xf32>,
      %get3A_46 = vector.shape_cast %get3A_45 : vector<1x16xf32> to vector<16xf32>
      %get3A_47 = arith.constant 2 : i32
      %get3A_48 = arith.index_cast %get3A_47 : i32 to index
      %get3A_49 = arith.index_cast %add3A_22 : i32 to index
      %get3A_50 = tpu.vector_load %arg7[%get3A_48, %get3A_49] {strides = array<i32>} : memref<4x128xf32, #tpu.memory_space<vmem>>, vector<1x16xf32>,
      %get3A_51 = vector.shape_cast %get3A_50 : vector<1x16xf32> to vector<16xf32>
      %get3A_52 = arith.constant 3 : i32
      %get3A_53 = arith.index_cast %get3A_52 : i32 to index
      %get3A_54 = arith.index_cast %add3A_18 : i32 to index
      %get3A_55 = tpu.vector_load %arg7[%get3A_53, %get3A_54] {strides = array<i32>} : memref<4x128xf32, #tpu.memory_space<vmem>>, vector<1x16xf32>,
      %get3A_56 = vector.shape_cast %get3A_55 : vector<1x16xf32> to vector<16xf32>
      %get3A_57 = arith.constant 3 : i32
      %get3A_58 = arith.index_cast %get3A_57 : i32 to index
      %get3A_59 = arith.index_cast %add3A_22 : i32 to index
      %get3A_60 = tpu.vector_load %arg7[%get3A_58, %get3A_59] {strides = array<i32>} : memref<4x128xf32, #tpu.memory_space<vmem>>, vector<1x16xf32>,
      %get3A_61 = vector.shape_cast %get3A_60 : vector<1x16xf32> to vector<16xf32>
      %sub3A = arith.subf %get3A_46, %get3A_26 : vector<16xf32>
      %max3A = arith.constant 0.000000e+00 : f32
      %max3A_62 = vector.broadcast %max3A : f32 to vector<16xf32>
      %max3A_63 = arith.maximumf %sub3A, %max3A_62 : vector<16xf32>
      %sub3A_64 = arith.subf %get3A_56, %get3A_36 : vector<16xf32>
      %max3A_65 = arith.constant 0.000000e+00 : f32
      %max3A_66 = vector.broadcast %max3A_65 : f32 to vector<16xf32>
      %max3A_67 = arith.maximumf %sub3A_64, %max3A_66 : vector<16xf32>
      %mul3A_68 = arith.mulf %max3A_63, %max3A_67 : vector<16xf32>
      %sub3A_69 = arith.subf %get3A_51, %get3A_31 : vector<16xf32>
      %max3A_70 = arith.constant 0.000000e+00 : f32
      %max3A_71 = vector.broadcast %max3A_70 : f32 to vector<16xf32>
      %max3A_72 = arith.maximumf %sub3A_69, %max3A_71 : vector<16xf32>
      %sub3A_73 = arith.subf %get3A_61, %get3A_41 : vector<16xf32>
      %max3A_74 = arith.constant 0.000000e+00 : f32
      %max3A_75 = vector.broadcast %max3A_74 : f32 to vector<16xf32>
      %max3A_76 = arith.maximumf %sub3A_73, %max3A_75 : vector<16xf32>
      %mul3A_77 = arith.mulf %max3A_72, %max3A_76 : vector<16xf32>
      %broadcast_in_dim3A = arith.constant -1.000000e+00 : f32
      %broadcast_in_dim3A_78 = vector.broadcast %broadcast_in_dim3A : f32 to vector<16xf32>
      %broadcast_in_dim3A_79 = arith.constant -1.000000e+00 : f32
      %broadcast_in_dim3A_80 = vector.broadcast %broadcast_in_dim3A_79 : f32 to vector<16xf32>
      %broadcast_in_dim3A_81 = arith.constant 0 : i32
      %broadcast_in_dim3A_82 = vector.broadcast %broadcast_in_dim3A_81 : i32 to vector<16xi32>
      %broadcast_in_dim3A_83 = arith.constant 0 : i32
      %broadcast_in_dim3A_84 = vector.broadcast %broadcast_in_dim3A_83 : i32 to vector<16xi32>
      %scan3A_85 = arith.constant 0 : i32
      %scan3A_86 = arith.constant 100 : i32
      %scan3A_87 = arith.addi %scan3A_85, %scan3A_86 : i32
      %scan3A_88 = arith.constant 4 : i32
      %scan3A_89:6 = scf.for %scan3A_147 = %scan3A_85 to %scan3A_87 step %scan3A_88 iter_args(%scan3A_148 = %broadcast_in_dim3A_78, %scan3A_149 = %broadcast_in_dim3A_80, %scan3A_150 = %broadcast_in_dim3A_82, %scan3A_151 = %broadcast_in_dim3A_84, %scan3A_152 = %broadcast_in_dim3A_82, %scan3A_153 = %broadcast_in_dim3A_84) -> (vector<16xf32>, vector<16xf32>, vector<16xi32>, vector<16xi32>, vector<16xi32>, vector<16xi32>)  : i32 {
        %mul3A_154 = arith.constant 16 : i32
        %mul3A_155 = arith.muli %scan3A_147, %mul3A_154 : i32
        %get3A_156 = arith.index_cast %mul3A_155 : i32 to index
        %get3A_157 = tpu.vector_load %arg8[%get3A_156] {strides = array<i32>} : memref<8000xf32, #tpu.memory_space<vmem>>, vector<16xf32>,
        %get3A_158 = vector.shape_cast %get3A_157 : vector<16xf32> to vector<16xf32>
        %add3A_159 = arith.constant 1600 : i32
        %add3A_160 = arith.addi %mul3A_155, %add3A_159 : i32
        %get3A_161 = arith.index_cast %add3A_160 : i32 to index
        %get3A_162 = tpu.vector_load %arg8[%get3A_161] {strides = array<i32>} : memref<8000xf32, #tpu.memory_space<vmem>>, vector<16xf32>,
        %get3A_163 = vector.shape_cast %get3A_162 : vector<16xf32> to vector<16xf32>
        %add3A_164 = arith.constant 3200 : i32
        %add3A_165 = arith.addi %mul3A_155, %add3A_164 : i32
        %get3A_166 = arith.index_cast %add3A_165 : i32 to index
        %get3A_167 = tpu.vector_load %arg8[%get3A_166] {strides = array<i32>} : memref<8000xf32, #tpu.memory_space<vmem>>, vector<16xf32>,
        %get3A_168 = vector.shape_cast %get3A_167 : vector<16xf32> to vector<16xf32>
        %add3A_169 = arith.constant 4800 : i32
        %add3A_170 = arith.addi %mul3A_155, %add3A_169 : i32
        %get3A_171 = arith.index_cast %add3A_170 : i32 to index
        %get3A_172 = tpu.vector_load %arg8[%get3A_171] {strides = array<i32>} : memref<8000xf32, #tpu.memory_space<vmem>>, vector<16xf32>,
        %get3A_173 = vector.shape_cast %get3A_172 : vector<16xf32> to vector<16xf32>
        %add3A_174 = arith.constant 6400 : i32
        %add3A_175 = arith.addi %mul3A_155, %add3A_174 : i32
        %get3A_176 = arith.index_cast %add3A_175 : i32 to index
        %get3A_177 = tpu.vector_load %arg8[%get3A_176] {strides = array<i32>} : memref<8000xf32, #tpu.memory_space<vmem>>, vector<16xf32>,
        %get3A_178 = vector.shape_cast %get3A_177 : vector<16xf32> to vector<16xf32>
        %get3A_179 = arith.index_cast %mul3A_155 : i32 to index
        %get3A_180 = tpu.vector_load %arg9[%get3A_179] {strides = array<i32>} : memref<1600xi32, #tpu.memory_space<vmem>>, vector<16xi32>,
        %get3A_181 = vector.shape_cast %get3A_180 : vector<16xi32> to vector<16xi32>
        %broadcast_in_dim3A_182 = vector.broadcast %scan3A_147 : i32 to vector<16xi32>
        %min3A = arith.minimumf %get3A_46, %get3A_168 : vector<16xf32>
        %max3A_183 = arith.maximumf %get3A_26, %get3A_158 : vector<16xf32>
        %sub3A_184 = arith.subf %min3A, %max3A_183 : vector<16xf32>
        %max3A_185 = arith.constant 0.000000e+00 : f32
        %max3A_186 = vector.broadcast %max3A_185 : f32 to vector<16xf32>
        %max3A_187 = arith.maximumf %sub3A_184, %max3A_186 : vector<16xf32>
        %min3A_188 = arith.minimumf %get3A_56, %get3A_173 : vector<16xf32>
        %max3A_189 = arith.maximumf %get3A_36, %get3A_163 : vector<16xf32>
        %sub3A_190 = arith.subf %min3A_188, %max3A_189 : vector<16xf32>
        %max3A_191 = arith.constant 0.000000e+00 : f32
        %max3A_192 = vector.broadcast %max3A_191 : f32 to vector<16xf32>
        %max3A_193 = arith.maximumf %sub3A_190, %max3A_192 : vector<16xf32>
        %mul3A_194 = arith.mulf %max3A_187, %max3A_193 : vector<16xf32>
        %add3A_195 = arith.addf %mul3A_68, %get3A_178 : vector<16xf32>
        %sub3A_196 = arith.subf %add3A_195, %mul3A_194 : vector<16xf32>
        %max3A_197 = arith.constant 1.000000e-10 : f32
        %max3A_198 = vector.broadcast %max3A_197 : f32 to vector<16xf32>
        %max3A_199 = arith.maximumf %sub3A_196, %max3A_198 : vector<16xf32>
        %div3A = arith.divf %mul3A_194, %max3A_199 : vector<16xf32>
        %gt3A_200 = arith.cmpf ogt, %div3A, %scan3A_148 : vector<16xf32>
        %select_n3A_201 = arith.select %gt3A_200, %div3A, %scan3A_148 : vector<16xi1>, vector<16xf32>
        %select_n3A_202 = arith.select %gt3A_200, %broadcast_in_dim3A_182, %scan3A_150 : vector<16xi1>, vector<16xi32>
        %select_n3A_203 = arith.select %gt3A_200, %get3A_181, %scan3A_152 : vector<16xi1>, vector<16xi32>
        %min3A_204 = arith.minimumf %get3A_51, %get3A_168 : vector<16xf32>
        %max3A_205 = arith.maximumf %get3A_31, %get3A_158 : vector<16xf32>
        %sub3A_206 = arith.subf %min3A_204, %max3A_205 : vector<16xf32>
        %max3A_207 = arith.constant 0.000000e+00 : f32
        %max3A_208 = vector.broadcast %max3A_207 : f32 to vector<16xf32>
        %max3A_209 = arith.maximumf %sub3A_206, %max3A_208 : vector<16xf32>
        %min3A_210 = arith.minimumf %get3A_61, %get3A_173 : vector<16xf32>
        %max3A_211 = arith.maximumf %get3A_41, %get3A_163 : vector<16xf32>
        %sub3A_212 = arith.subf %min3A_210, %max3A_211 : vector<16xf32>
        %max3A_213 = arith.constant 0.000000e+00 : f32
        %max3A_214 = vector.broadcast %max3A_213 : f32 to vector<16xf32>
        %max3A_215 = arith.maximumf %sub3A_212, %max3A_214 : vector<16xf32>
        %mul3A_216 = arith.mulf %max3A_209, %max3A_215 : vector<16xf32>
        %add3A_217 = arith.addf %mul3A_77, %get3A_178 : vector<16xf32>
        %sub3A_218 = arith.subf %add3A_217, %mul3A_216 : vector<16xf32>
        %max3A_219 = arith.constant 1.000000e-10 : f32
        %max3A_220 = vector.broadcast %max3A_219 : f32 to vector<16xf32>
        %max3A_221 = arith.maximumf %sub3A_218, %max3A_220 : vector<16xf32>
        %div3A_222 = arith.divf %mul3A_216, %max3A_221 : vector<16xf32>
        %gt3A_223 = arith.cmpf ogt, %div3A_222, %scan3A_149 : vector<16xf32>
        %select_n3A_224 = arith.select %gt3A_223, %div3A_222, %scan3A_149 : vector<16xi1>, vector<16xf32>
        %select_n3A_225 = arith.select %gt3A_223, %broadcast_in_dim3A_182, %scan3A_151 : vector<16xi1>, vector<16xi32>
        %select_n3A_226 = arith.select %gt3A_223, %get3A_181, %scan3A_153 : vector<16xi1>, vector<16xi32>
        %scan3A_227 = arith.constant 1 : i32
        %scan3A_228 = arith.addi %scan3A_147, %scan3A_227 : i32
        %mul3A_229 = arith.constant 16 : i32
        %mul3A_230 = arith.muli %scan3A_228, %mul3A_229 : i32
        %get3A_231 = arith.index_cast %mul3A_230 : i32 to index
        %get3A_232 = tpu.vector_load %arg8[%get3A_231] {strides = array<i32>} : memref<8000xf32, #tpu.memory_space<vmem>>, vector<16xf32>,
        %get3A_233 = vector.shape_cast %get3A_232 : vector<16xf32> to vector<16xf32>
        %add3A_234 = arith.constant 1600 : i32
        %add3A_235 = arith.addi %mul3A_230, %add3A_234 : i32
        %get3A_236 = arith.index_cast %add3A_235 : i32 to index
        %get3A_237 = tpu.vector_load %arg8[%get3A_236] {strides = array<i32>} : memref<8000xf32, #tpu.memory_space<vmem>>, vector<16xf32>,
        %get3A_238 = vector.shape_cast %get3A_237 : vector<16xf32> to vector<16xf32>
        %add3A_239 = arith.constant 3200 : i32
        %add3A_240 = arith.addi %mul3A_230, %add3A_239 : i32
        %get3A_241 = arith.index_cast %add3A_240 : i32 to index
        %get3A_242 = tpu.vector_load %arg8[%get3A_241] {strides = array<i32>} : memref<8000xf32, #tpu.memory_space<vmem>>, vector<16xf32>,
        %get3A_243 = vector.shape_cast %get3A_242 : vector<16xf32> to vector<16xf32>
        %add3A_244 = arith.constant 4800 : i32
        %add3A_245 = arith.addi %mul3A_230, %add3A_244 : i32
        %get3A_246 = arith.index_cast %add3A_245 : i32 to index
        %get3A_247 = tpu.vector_load %arg8[%get3A_246] {strides = array<i32>} : memref<8000xf32, #tpu.memory_space<vmem>>, vector<16xf32>,
        %get3A_248 = vector.shape_cast %get3A_247 : vector<16xf32> to vector<16xf32>
        %add3A_249 = arith.constant 6400 : i32
        %add3A_250 = arith.addi %mul3A_230, %add3A_249 : i32
        %get3A_251 = arith.index_cast %add3A_250 : i32 to index
        %get3A_252 = tpu.vector_load %arg8[%get3A_251] {strides = array<i32>} : memref<8000xf32, #tpu.memory_space<vmem>>, vector<16xf32>,
        %get3A_253 = vector.shape_cast %get3A_252 : vector<16xf32> to vector<16xf32>
        %get3A_254 = arith.index_cast %mul3A_230 : i32 to index
        %get3A_255 = tpu.vector_load %arg9[%get3A_254] {strides = array<i32>} : memref<1600xi32, #tpu.memory_space<vmem>>, vector<16xi32>,
        %get3A_256 = vector.shape_cast %get3A_255 : vector<16xi32> to vector<16xi32>
        %broadcast_in_dim3A_257 = vector.broadcast %scan3A_228 : i32 to vector<16xi32>
        %min3A_258 = arith.minimumf %get3A_46, %get3A_243 : vector<16xf32>
        %max3A_259 = arith.maximumf %get3A_26, %get3A_233 : vector<16xf32>
        %sub3A_260 = arith.subf %min3A_258, %max3A_259 : vector<16xf32>
        %max3A_261 = arith.constant 0.000000e+00 : f32
        %max3A_262 = vector.broadcast %max3A_261 : f32 to vector<16xf32>
        %max3A_263 = arith.maximumf %sub3A_260, %max3A_262 : vector<16xf32>
        %min3A_264 = arith.minimumf %get3A_56, %get3A_248 : vector<16xf32>
        %max3A_265 = arith.maximumf %get3A_36, %get3A_238 : vector<16xf32>
        %sub3A_266 = arith.subf %min3A_264, %max3A_265 : vector<16xf32>
        %max3A_267 = arith.constant 0.000000e+00 : f32
        %max3A_268 = vector.broadcast %max3A_267 : f32 to vector<16xf32>
        %max3A_269 = arith.maximumf %sub3A_266, %max3A_268 : vector<16xf32>
        %mul3A_270 = arith.mulf %max3A_263, %max3A_269 : vector<16xf32>
        %add3A_271 = arith.addf %mul3A_68, %get3A_253 : vector<16xf32>
        %sub3A_272 = arith.subf %add3A_271, %mul3A_270 : vector<16xf32>
        %max3A_273 = arith.constant 1.000000e-10 : f32
        %max3A_274 = vector.broadcast %max3A_273 : f32 to vector<16xf32>
        %max3A_275 = arith.maximumf %sub3A_272, %max3A_274 : vector<16xf32>
        %div3A_276 = arith.divf %mul3A_270, %max3A_275 : vector<16xf32>
        %gt3A_277 = arith.cmpf ogt, %div3A_276, %select_n3A_201 : vector<16xf32>
        %select_n3A_278 = arith.select %gt3A_277, %div3A_276, %select_n3A_201 : vector<16xi1>, vector<16xf32>
        %select_n3A_279 = arith.select %gt3A_277, %broadcast_in_dim3A_257, %select_n3A_202 : vector<16xi1>, vector<16xi32>
        %select_n3A_280 = arith.select %gt3A_277, %get3A_256, %select_n3A_203 : vector<16xi1>, vector<16xi32>
        %min3A_281 = arith.minimumf %get3A_51, %get3A_243 : vector<16xf32>
        %max3A_282 = arith.maximumf %get3A_31, %get3A_233 : vector<16xf32>
        %sub3A_283 = arith.subf %min3A_281, %max3A_282 : vector<16xf32>
        %max3A_284 = arith.constant 0.000000e+00 : f32
        %max3A_285 = vector.broadcast %max3A_284 : f32 to vector<16xf32>
        %max3A_286 = arith.maximumf %sub3A_283, %max3A_285 : vector<16xf32>
        %min3A_287 = arith.minimumf %get3A_61, %get3A_248 : vector<16xf32>
        %max3A_288 = arith.maximumf %get3A_41, %get3A_238 : vector<16xf32>
        %sub3A_289 = arith.subf %min3A_287, %max3A_288 : vector<16xf32>
        %max3A_290 = arith.constant 0.000000e+00 : f32
        %max3A_291 = vector.broadcast %max3A_290 : f32 to vector<16xf32>
        %max3A_292 = arith.maximumf %sub3A_289, %max3A_291 : vector<16xf32>
        %mul3A_293 = arith.mulf %max3A_286, %max3A_292 : vector<16xf32>
        %add3A_294 = arith.addf %mul3A_77, %get3A_253 : vector<16xf32>
        %sub3A_295 = arith.subf %add3A_294, %mul3A_293 : vector<16xf32>
        %max3A_296 = arith.constant 1.000000e-10 : f32
        %max3A_297 = vector.broadcast %max3A_296 : f32 to vector<16xf32>
        %max3A_298 = arith.maximumf %sub3A_295, %max3A_297 : vector<16xf32>
        %div3A_299 = arith.divf %mul3A_293, %max3A_298 : vector<16xf32>
        %gt3A_300 = arith.cmpf ogt, %div3A_299, %select_n3A_224 : vector<16xf32>
        %select_n3A_301 = arith.select %gt3A_300, %div3A_299, %select_n3A_224 : vector<16xi1>, vector<16xf32>
        %select_n3A_302 = arith.select %gt3A_300, %broadcast_in_dim3A_257, %select_n3A_225 : vector<16xi1>, vector<16xi32>
        %select_n3A_303 = arith.select %gt3A_300, %get3A_256, %select_n3A_226 : vector<16xi1>, vector<16xi32>
        %scan3A_304 = arith.constant 2 : i32
        %scan3A_305 = arith.addi %scan3A_147, %scan3A_304 : i32
        %mul3A_306 = arith.constant 16 : i32
        %mul3A_307 = arith.muli %scan3A_305, %mul3A_306 : i32
        %get3A_308 = arith.index_cast %mul3A_307 : i32 to index
        %get3A_309 = tpu.vector_load %arg8[%get3A_308] {strides = array<i32>} : memref<8000xf32, #tpu.memory_space<vmem>>, vector<16xf32>,
        %get3A_310 = vector.shape_cast %get3A_309 : vector<16xf32> to vector<16xf32>
        %add3A_311 = arith.constant 1600 : i32
        %add3A_312 = arith.addi %mul3A_307, %add3A_311 : i32
        %get3A_313 = arith.index_cast %add3A_312 : i32 to index
        %get3A_314 = tpu.vector_load %arg8[%get3A_313] {strides = array<i32>} : memref<8000xf32, #tpu.memory_space<vmem>>, vector<16xf32>,
        %get3A_315 = vector.shape_cast %get3A_314 : vector<16xf32> to vector<16xf32>
        %add3A_316 = arith.constant 3200 : i32
        %add3A_317 = arith.addi %mul3A_307, %add3A_316 : i32
        %get3A_318 = arith.index_cast %add3A_317 : i32 to index
        %get3A_319 = tpu.vector_load %arg8[%get3A_318] {strides = array<i32>} : memref<8000xf32, #tpu.memory_space<vmem>>, vector<16xf32>,
        %get3A_320 = vector.shape_cast %get3A_319 : vector<16xf32> to vector<16xf32>
        %add3A_321 = arith.constant 4800 : i32
        %add3A_322 = arith.addi %mul3A_307, %add3A_321 : i32
        %get3A_323 = arith.index_cast %add3A_322 : i32 to index
        %get3A_324 = tpu.vector_load %arg8[%get3A_323] {strides = array<i32>} : memref<8000xf32, #tpu.memory_space<vmem>>, vector<16xf32>,
        %get3A_325 = vector.shape_cast %get3A_324 : vector<16xf32> to vector<16xf32>
        %add3A_326 = arith.constant 6400 : i32
        %add3A_327 = arith.addi %mul3A_307, %add3A_326 : i32
        %get3A_328 = arith.index_cast %add3A_327 : i32 to index
        %get3A_329 = tpu.vector_load %arg8[%get3A_328] {strides = array<i32>} : memref<8000xf32, #tpu.memory_space<vmem>>, vector<16xf32>,
        %get3A_330 = vector.shape_cast %get3A_329 : vector<16xf32> to vector<16xf32>
        %get3A_331 = arith.index_cast %mul3A_307 : i32 to index
        %get3A_332 = tpu.vector_load %arg9[%get3A_331] {strides = array<i32>} : memref<1600xi32, #tpu.memory_space<vmem>>, vector<16xi32>,
        %get3A_333 = vector.shape_cast %get3A_332 : vector<16xi32> to vector<16xi32>
        %broadcast_in_dim3A_334 = vector.broadcast %scan3A_305 : i32 to vector<16xi32>
        %min3A_335 = arith.minimumf %get3A_46, %get3A_320 : vector<16xf32>
        %max3A_336 = arith.maximumf %get3A_26, %get3A_310 : vector<16xf32>
        %sub3A_337 = arith.subf %min3A_335, %max3A_336 : vector<16xf32>
        %max3A_338 = arith.constant 0.000000e+00 : f32
        %max3A_339 = vector.broadcast %max3A_338 : f32 to vector<16xf32>
        %max3A_340 = arith.maximumf %sub3A_337, %max3A_339 : vector<16xf32>
        %min3A_341 = arith.minimumf %get3A_56, %get3A_325 : vector<16xf32>
        %max3A_342 = arith.maximumf %get3A_36, %get3A_315 : vector<16xf32>
        %sub3A_343 = arith.subf %min3A_341, %max3A_342 : vector<16xf32>
        %max3A_344 = arith.constant 0.000000e+00 : f32
        %max3A_345 = vector.broadcast %max3A_344 : f32 to vector<16xf32>
        %max3A_346 = arith.maximumf %sub3A_343, %max3A_345 : vector<16xf32>
        %mul3A_347 = arith.mulf %max3A_340, %max3A_346 : vector<16xf32>
        %add3A_348 = arith.addf %mul3A_68, %get3A_330 : vector<16xf32>
        %sub3A_349 = arith.subf %add3A_348, %mul3A_347 : vector<16xf32>
        %max3A_350 = arith.constant 1.000000e-10 : f32
        %max3A_351 = vector.broadcast %max3A_350 : f32 to vector<16xf32>
        %max3A_352 = arith.maximumf %sub3A_349, %max3A_351 : vector<16xf32>
        %div3A_353 = arith.divf %mul3A_347, %max3A_352 : vector<16xf32>
        %gt3A_354 = arith.cmpf ogt, %div3A_353, %select_n3A_278 : vector<16xf32>
        %select_n3A_355 = arith.select %gt3A_354, %div3A_353, %select_n3A_278 : vector<16xi1>, vector<16xf32>
        %select_n3A_356 = arith.select %gt3A_354, %broadcast_in_dim3A_334, %select_n3A_279 : vector<16xi1>, vector<16xi32>
        %select_n3A_357 = arith.select %gt3A_354, %get3A_333, %select_n3A_280 : vector<16xi1>, vector<16xi32>
        %min3A_358 = arith.minimumf %get3A_51, %get3A_320 : vector<16xf32>
        %max3A_359 = arith.maximumf %get3A_31, %get3A_310 : vector<16xf32>
        %sub3A_360 = arith.subf %min3A_358, %max3A_359 : vector<16xf32>
        %max3A_361 = arith.constant 0.000000e+00 : f32
        %max3A_362 = vector.broadcast %max3A_361 : f32 to vector<16xf32>
        %max3A_363 = arith.maximumf %sub3A_360, %max3A_362 : vector<16xf32>
        %min3A_364 = arith.minimumf %get3A_61, %get3A_325 : vector<16xf32>
        %max3A_365 = arith.maximumf %get3A_41, %get3A_315 : vector<16xf32>
        %sub3A_366 = arith.subf %min3A_364, %max3A_365 : vector<16xf32>
        %max3A_367 = arith.constant 0.000000e+00 : f32
        %max3A_368 = vector.broadcast %max3A_367 : f32 to vector<16xf32>
        %max3A_369 = arith.maximumf %sub3A_366, %max3A_368 : vector<16xf32>
        %mul3A_370 = arith.mulf %max3A_363, %max3A_369 : vector<16xf32>
        %add3A_371 = arith.addf %mul3A_77, %get3A_330 : vector<16xf32>
        %sub3A_372 = arith.subf %add3A_371, %mul3A_370 : vector<16xf32>
        %max3A_373 = arith.constant 1.000000e-10 : f32
        %max3A_374 = vector.broadcast %max3A_373 : f32 to vector<16xf32>
        %max3A_375 = arith.maximumf %sub3A_372, %max3A_374 : vector<16xf32>
        %div3A_376 = arith.divf %mul3A_370, %max3A_375 : vector<16xf32>
        %gt3A_377 = arith.cmpf ogt, %div3A_376, %select_n3A_301 : vector<16xf32>
        %select_n3A_378 = arith.select %gt3A_377, %div3A_376, %select_n3A_301 : vector<16xi1>, vector<16xf32>
        %select_n3A_379 = arith.select %gt3A_377, %broadcast_in_dim3A_334, %select_n3A_302 : vector<16xi1>, vector<16xi32>
        %select_n3A_380 = arith.select %gt3A_377, %get3A_333, %select_n3A_303 : vector<16xi1>, vector<16xi32>
        %scan3A_381 = arith.constant 3 : i32
        %scan3A_382 = arith.addi %scan3A_147, %scan3A_381 : i32
        %mul3A_383 = arith.constant 16 : i32
        %mul3A_384 = arith.muli %scan3A_382, %mul3A_383 : i32
        %get3A_385 = arith.index_cast %mul3A_384 : i32 to index
        %get3A_386 = tpu.vector_load %arg8[%get3A_385] {strides = array<i32>} : memref<8000xf32, #tpu.memory_space<vmem>>, vector<16xf32>,
        %get3A_387 = vector.shape_cast %get3A_386 : vector<16xf32> to vector<16xf32>
        %add3A_388 = arith.constant 1600 : i32
        %add3A_389 = arith.addi %mul3A_384, %add3A_388 : i32
        %get3A_390 = arith.index_cast %add3A_389 : i32 to index
        %get3A_391 = tpu.vector_load %arg8[%get3A_390] {strides = array<i32>} : memref<8000xf32, #tpu.memory_space<vmem>>, vector<16xf32>,
        %get3A_392 = vector.shape_cast %get3A_391 : vector<16xf32> to vector<16xf32>
        %add3A_393 = arith.constant 3200 : i32
        %add3A_394 = arith.addi %mul3A_384, %add3A_393 : i32
        %get3A_395 = arith.index_cast %add3A_394 : i32 to index
        %get3A_396 = tpu.vector_load %arg8[%get3A_395] {strides = array<i32>} : memref<8000xf32, #tpu.memory_space<vmem>>, vector<16xf32>,
        %get3A_397 = vector.shape_cast %get3A_396 : vector<16xf32> to vector<16xf32>
        %add3A_398 = arith.constant 4800 : i32
        %add3A_399 = arith.addi %mul3A_384, %add3A_398 : i32
        %get3A_400 = arith.index_cast %add3A_399 : i32 to index
        %get3A_401 = tpu.vector_load %arg8[%get3A_400] {strides = array<i32>} : memref<8000xf32, #tpu.memory_space<vmem>>, vector<16xf32>,
        %get3A_402 = vector.shape_cast %get3A_401 : vector<16xf32> to vector<16xf32>
        %add3A_403 = arith.constant 6400 : i32
        %add3A_404 = arith.addi %mul3A_384, %add3A_403 : i32
        %get3A_405 = arith.index_cast %add3A_404 : i32 to index
        %get3A_406 = tpu.vector_load %arg8[%get3A_405] {strides = array<i32>} : memref<8000xf32, #tpu.memory_space<vmem>>, vector<16xf32>,
        %get3A_407 = vector.shape_cast %get3A_406 : vector<16xf32> to vector<16xf32>
        %get3A_408 = arith.index_cast %mul3A_384 : i32 to index
        %get3A_409 = tpu.vector_load %arg9[%get3A_408] {strides = array<i32>} : memref<1600xi32, #tpu.memory_space<vmem>>, vector<16xi32>,
        %get3A_410 = vector.shape_cast %get3A_409 : vector<16xi32> to vector<16xi32>
        %broadcast_in_dim3A_411 = vector.broadcast %scan3A_382 : i32 to vector<16xi32>
        %min3A_412 = arith.minimumf %get3A_46, %get3A_397 : vector<16xf32>
        %max3A_413 = arith.maximumf %get3A_26, %get3A_387 : vector<16xf32>
        %sub3A_414 = arith.subf %min3A_412, %max3A_413 : vector<16xf32>
        %max3A_415 = arith.constant 0.000000e+00 : f32
        %max3A_416 = vector.broadcast %max3A_415 : f32 to vector<16xf32>
        %max3A_417 = arith.maximumf %sub3A_414, %max3A_416 : vector<16xf32>
        %min3A_418 = arith.minimumf %get3A_56, %get3A_402 : vector<16xf32>
        %max3A_419 = arith.maximumf %get3A_36, %get3A_392 : vector<16xf32>
        %sub3A_420 = arith.subf %min3A_418, %max3A_419 : vector<16xf32>
        %max3A_421 = arith.constant 0.000000e+00 : f32
        %max3A_422 = vector.broadcast %max3A_421 : f32 to vector<16xf32>
        %max3A_423 = arith.maximumf %sub3A_420, %max3A_422 : vector<16xf32>
        %mul3A_424 = arith.mulf %max3A_417, %max3A_423 : vector<16xf32>
        %add3A_425 = arith.addf %mul3A_68, %get3A_407 : vector<16xf32>
        %sub3A_426 = arith.subf %add3A_425, %mul3A_424 : vector<16xf32>
        %max3A_427 = arith.constant 1.000000e-10 : f32
        %max3A_428 = vector.broadcast %max3A_427 : f32 to vector<16xf32>
        %max3A_429 = arith.maximumf %sub3A_426, %max3A_428 : vector<16xf32>
        %div3A_430 = arith.divf %mul3A_424, %max3A_429 : vector<16xf32>
        %gt3A_431 = arith.cmpf ogt, %div3A_430, %select_n3A_355 : vector<16xf32>
        %select_n3A_432 = arith.select %gt3A_431, %div3A_430, %select_n3A_355 : vector<16xi1>, vector<16xf32>
        %select_n3A_433 = arith.select %gt3A_431, %broadcast_in_dim3A_411, %select_n3A_356 : vector<16xi1>, vector<16xi32>
        %select_n3A_434 = arith.select %gt3A_431, %get3A_410, %select_n3A_357 : vector<16xi1>, vector<16xi32>
        %min3A_435 = arith.minimumf %get3A_51, %get3A_397 : vector<16xf32>
        %max3A_436 = arith.maximumf %get3A_31, %get3A_387 : vector<16xf32>
        %sub3A_437 = arith.subf %min3A_435, %max3A_436 : vector<16xf32>
        %max3A_438 = arith.constant 0.000000e+00 : f32
        %max3A_439 = vector.broadcast %max3A_438 : f32 to vector<16xf32>
        %max3A_440 = arith.maximumf %sub3A_437, %max3A_439 : vector<16xf32>
        %min3A_441 = arith.minimumf %get3A_61, %get3A_402 : vector<16xf32>
        %max3A_442 = arith.maximumf %get3A_41, %get3A_392 : vector<16xf32>
        %sub3A_443 = arith.subf %min3A_441, %max3A_442 : vector<16xf32>
        %max3A_444 = arith.constant 0.000000e+00 : f32
        %max3A_445 = vector.broadcast %max3A_444 : f32 to vector<16xf32>
        %max3A_446 = arith.maximumf %sub3A_443, %max3A_445 : vector<16xf32>
        %mul3A_447 = arith.mulf %max3A_440, %max3A_446 : vector<16xf32>
        %add3A_448 = arith.addf %mul3A_77, %get3A_407 : vector<16xf32>
        %sub3A_449 = arith.subf %add3A_448, %mul3A_447 : vector<16xf32>
        %max3A_450 = arith.constant 1.000000e-10 : f32
        %max3A_451 = vector.broadcast %max3A_450 : f32 to vector<16xf32>
        %max3A_452 = arith.maximumf %sub3A_449, %max3A_451 : vector<16xf32>
        %div3A_453 = arith.divf %mul3A_447, %max3A_452 : vector<16xf32>
        %gt3A_454 = arith.cmpf ogt, %div3A_453, %select_n3A_378 : vector<16xf32>
        %select_n3A_455 = arith.select %gt3A_454, %div3A_453, %select_n3A_378 : vector<16xi1>, vector<16xf32>
        %select_n3A_456 = arith.select %gt3A_454, %broadcast_in_dim3A_411, %select_n3A_379 : vector<16xi1>, vector<16xi32>
        %select_n3A_457 = arith.select %gt3A_454, %get3A_410, %select_n3A_380 : vector<16xi1>, vector<16xi32>
        scf.yield %select_n3A_432, %select_n3A_455, %select_n3A_433, %select_n3A_456, %select_n3A_434, %select_n3A_457 : vector<16xf32>, vector<16xf32>, vector<16xi32>, vector<16xi32>, vector<16xi32>, vector<16xi32>
      }
      %scan3A_90 = arith.constant 100 : i32
      %gt3A = arith.constant 5.000000e-01 : f32
      %gt3A_91 = vector.broadcast %gt3A : f32 to vector<16xf32>
      %gt3A_92 = arith.cmpf ogt, %scan3A_89#0, %gt3A_91 : vector<16xf32>
      %lt3A = arith.constant 4.000000e-01 : f32
      %lt3A_93 = vector.broadcast %lt3A : f32 to vector<16xf32>
      %lt3A_94 = arith.cmpf olt, %scan3A_89#0, %lt3A_93 : vector<16xf32>
      %add3A_95 = arith.constant 1 : i32
      %add3A_96 = vector.broadcast %add3A_95 : i32 to vector<16xi32>
      %add3A_97 = arith.addi %scan3A_89#2, %add3A_96 : vector<16xi32>
      %broadcast_in_dim3A_98 = arith.constant 0 : i32
      %broadcast_in_dim3A_99 = vector.broadcast %broadcast_in_dim3A_98 : i32 to vector<16xi32>
      %broadcast_in_dim3A_100 = arith.constant -1 : i32
      %broadcast_in_dim3A_101 = vector.broadcast %broadcast_in_dim3A_100 : i32 to vector<16xi32>
      %select_n3A = arith.select %lt3A_94, %broadcast_in_dim3A_99, %broadcast_in_dim3A_101 : vector<16xi1>, vector<16xi32>
      %select_n3A_102 = arith.select %gt3A_92, %add3A_97, %select_n3A : vector<16xi1>, vector<16xi32>
      %broadcast_in_dim3A_103 = arith.constant -1 : i32
      %broadcast_in_dim3A_104 = vector.broadcast %broadcast_in_dim3A_103 : i32 to vector<16xi32>
      %select_n3A_105 = arith.select %gt3A_92, %scan3A_89#4, %broadcast_in_dim3A_104 : vector<16xi1>, vector<16xi32>
      %swap3A = arith.index_cast %add3A_18 : i32 to index
      %swap3A_106 = tpu.vector_load %arg10[%swap3A] {strides = array<i32>} : memref<128xi32, #tpu.memory_space<vmem>>, vector<16xi32>,
      %swap3A_107 = vector.shape_cast %swap3A_106 : vector<16xi32> to vector<16xi32>
      %swap3A_108 = vector.shape_cast %select_n3A_102 : vector<16xi32> to vector<16xi32>
      tpu.vector_store %arg10[%swap3A], %swap3A_108 {strides = array<i32>} : memref<128xi32, #tpu.memory_space<vmem>>, vector<16xi32>,
      %swap3A_109 = arith.index_cast %add3A_18 : i32 to index
      %swap3A_110 = tpu.vector_load %arg11[%swap3A_109] {strides = array<i32>} : memref<128xf32, #tpu.memory_space<vmem>>, vector<16xf32>,
      %swap3A_111 = vector.shape_cast %swap3A_110 : vector<16xf32> to vector<16xf32>
      %swap3A_112 = vector.shape_cast %scan3A_89#0 : vector<16xf32> to vector<16xf32>
      tpu.vector_store %arg11[%swap3A_109], %swap3A_112 {strides = array<i32>} : memref<128xf32, #tpu.memory_space<vmem>>, vector<16xf32>,
      %swap3A_113 = arith.index_cast %add3A_18 : i32 to index
      %swap3A_114 = tpu.vector_load %arg12[%swap3A_113] {strides = array<i32>} : memref<128xi32, #tpu.memory_space<vmem>>, vector<16xi32>,
      %swap3A_115 = vector.shape_cast %swap3A_114 : vector<16xi32> to vector<16xi32>
      %swap3A_116 = vector.shape_cast %select_n3A_105 : vector<16xi32> to vector<16xi32>
      tpu.vector_store %arg12[%swap3A_113], %swap3A_116 {strides = array<i32>} : memref<128xi32, #tpu.memory_space<vmem>>, vector<16xi32>,
      %gt3A_117 = arith.constant 5.000000e-01 : f32
      %gt3A_118 = vector.broadcast %gt3A_117 : f32 to vector<16xf32>
      %gt3A_119 = arith.cmpf ogt, %scan3A_89#1, %gt3A_118 : vector<16xf32>
      %lt3A_120 = arith.constant 4.000000e-01 : f32
      %lt3A_121 = vector.broadcast %lt3A_120 : f32 to vector<16xf32>
      %lt3A_122 = arith.cmpf olt, %scan3A_89#1, %lt3A_121 : vector<16xf32>
      %add3A_123 = arith.constant 1 : i32
      %add3A_124 = vector.broadcast %add3A_123 : i32 to vector<16xi32>
      %add3A_125 = arith.addi %scan3A_89#3, %add3A_124 : vector<16xi32>
      %broadcast_in_dim3A_126 = arith.constant 0 : i32
      %broadcast_in_dim3A_127 = vector.broadcast %broadcast_in_dim3A_126 : i32 to vector<16xi32>
      %broadcast_in_dim3A_128 = arith.constant -1 : i32
      %broadcast_in_dim3A_129 = vector.broadcast %broadcast_in_dim3A_128 : i32 to vector<16xi32>
      %select_n3A_130 = arith.select %lt3A_122, %broadcast_in_dim3A_127, %broadcast_in_dim3A_129 : vector<16xi1>, vector<16xi32>
      %select_n3A_131 = arith.select %gt3A_119, %add3A_125, %select_n3A_130 : vector<16xi1>, vector<16xi32>
      %broadcast_in_dim3A_132 = arith.constant -1 : i32
      %broadcast_in_dim3A_133 = vector.broadcast %broadcast_in_dim3A_132 : i32 to vector<16xi32>
      %select_n3A_134 = arith.select %gt3A_119, %scan3A_89#5, %broadcast_in_dim3A_133 : vector<16xi1>, vector<16xi32>
      %swap3A_135 = arith.index_cast %add3A_22 : i32 to index
      %swap3A_136 = tpu.vector_load %arg10[%swap3A_135] {strides = array<i32>} : memref<128xi32, #tpu.memory_space<vmem>>, vector<16xi32>,
      %swap3A_137 = vector.shape_cast %swap3A_136 : vector<16xi32> to vector<16xi32>
      %swap3A_138 = vector.shape_cast %select_n3A_131 : vector<16xi32> to vector<16xi32>
      tpu.vector_store %arg10[%swap3A_135], %swap3A_138 {strides = array<i32>} : memref<128xi32, #tpu.memory_space<vmem>>, vector<16xi32>,
      %swap3A_139 = arith.index_cast %add3A_22 : i32 to index
      %swap3A_140 = tpu.vector_load %arg11[%swap3A_139] {strides = array<i32>} : memref<128xf32, #tpu.memory_space<vmem>>, vector<16xf32>,
      %swap3A_141 = vector.shape_cast %swap3A_140 : vector<16xf32> to vector<16xf32>
      %swap3A_142 = vector.shape_cast %scan3A_89#1 : vector<16xf32> to vector<16xf32>
      tpu.vector_store %arg11[%swap3A_139], %swap3A_142 {strides = array<i32>} : memref<128xf32, #tpu.memory_space<vmem>>, vector<16xf32>,
      %swap3A_143 = arith.index_cast %add3A_22 : i32 to index
      %swap3A_144 = tpu.vector_load %arg12[%swap3A_143] {strides = array<i32>} : memref<128xi32, #tpu.memory_space<vmem>>, vector<16xi32>,
      %swap3A_145 = vector.shape_cast %swap3A_144 : vector<16xi32> to vector<16xi32>
      %swap3A_146 = vector.shape_cast %select_n3A_134 : vector<16xi32> to vector<16xi32>
      tpu.vector_store %arg12[%swap3A_143], %swap3A_146 {strides = array<i32>} : memref<128xi32, #tpu.memory_space<vmem>>, vector<16xi32>,
    }
    %scan3A_13 = arith.constant 4 : i32
    "tpu.region"() ({
      %run_scoped3A = tpu.sem_alloc : memref<!tpu.dma_semaphore, #tpu.memory_space<semaphore_mem>>
      %dma_start3A = tpu.memref_slice %arg4[%mul3A_2] : memref<4096xi32, #tpu.memory_space<hbm>> -> memref<128xi32, #tpu.memory_space<hbm>>
      %dma_start3A_14 = tpu.memref_slice %arg4[%mul3A_2] : memref<4096xi32, #tpu.memory_space<hbm>> -> memref<128xi32, #tpu.memory_space<hbm>>
      tpu.enqueue_dma source(%arg10 : memref<128xi32, #tpu.memory_space<vmem>>) target(%dma_start3A_14 : memref<128xi32, #tpu.memory_space<hbm>>) target_semaphore(%run_scoped3A : memref<!tpu.dma_semaphore, #tpu.memory_space<semaphore_mem>>)
      %dma_wait3A = tpu.memref_slice %arg4[%mul3A_2] : memref<4096xi32, #tpu.memory_space<hbm>> -> memref<128xi32, #tpu.memory_space<hbm>>
      %dma_wait3A_15 = tpu.memref_slice %arg4[%mul3A_2] : memref<4096xi32, #tpu.memory_space<hbm>> -> memref<128xi32, #tpu.memory_space<hbm>>
      tpu.wait_dma2 semaphore(%run_scoped3A : memref<!tpu.dma_semaphore, #tpu.memory_space<semaphore_mem>>) src(%arg10 : memref<128xi32, #tpu.memory_space<vmem>>) dst(%dma_wait3A_15 : memref<128xi32, #tpu.memory_space<hbm>>)
      tpu.yield
    }) : () -> ()
    "tpu.region"() ({
      %run_scoped3A = tpu.sem_alloc : memref<!tpu.dma_semaphore, #tpu.memory_space<semaphore_mem>>
      %dma_start3A = tpu.memref_slice %arg5[%mul3A_2] : memref<4096xf32, #tpu.memory_space<hbm>> -> memref<128xf32, #tpu.memory_space<hbm>>
      %dma_start3A_14 = tpu.memref_slice %arg5[%mul3A_2] : memref<4096xf32, #tpu.memory_space<hbm>> -> memref<128xf32, #tpu.memory_space<hbm>>
      tpu.enqueue_dma source(%arg11 : memref<128xf32, #tpu.memory_space<vmem>>) target(%dma_start3A_14 : memref<128xf32, #tpu.memory_space<hbm>>) target_semaphore(%run_scoped3A : memref<!tpu.dma_semaphore, #tpu.memory_space<semaphore_mem>>)
      %dma_wait3A = tpu.memref_slice %arg5[%mul3A_2] : memref<4096xf32, #tpu.memory_space<hbm>> -> memref<128xf32, #tpu.memory_space<hbm>>
      %dma_wait3A_15 = tpu.memref_slice %arg5[%mul3A_2] : memref<4096xf32, #tpu.memory_space<hbm>> -> memref<128xf32, #tpu.memory_space<hbm>>
      tpu.wait_dma2 semaphore(%run_scoped3A : memref<!tpu.dma_semaphore, #tpu.memory_space<semaphore_mem>>) src(%arg11 : memref<128xf32, #tpu.memory_space<vmem>>) dst(%dma_wait3A_15 : memref<128xf32, #tpu.memory_space<hbm>>)
      tpu.yield
    }) : () -> ()
    "tpu.region"() ({
      %run_scoped3A = tpu.sem_alloc : memref<!tpu.dma_semaphore, #tpu.memory_space<semaphore_mem>>
      %dma_start3A = tpu.memref_slice %arg6[%mul3A_2] : memref<4096xi32, #tpu.memory_space<hbm>> -> memref<128xi32, #tpu.memory_space<hbm>>
      %dma_start3A_14 = tpu.memref_slice %arg6[%mul3A_2] : memref<4096xi32, #tpu.memory_space<hbm>> -> memref<128xi32, #tpu.memory_space<hbm>>
      tpu.enqueue_dma source(%arg12 : memref<128xi32, #tpu.memory_space<vmem>>) target(%dma_start3A_14 : memref<128xi32, #tpu.memory_space<hbm>>) target_semaphore(%run_scoped3A : memref<!tpu.dma_semaphore, #tpu.memory_space<semaphore_mem>>)
      %dma_wait3A = tpu.memref_slice %arg6[%mul3A_2] : memref<4096xi32, #tpu.memory_space<hbm>> -> memref<128xi32, #tpu.memory_space<hbm>>
      %dma_wait3A_15 = tpu.memref_slice %arg6[%mul3A_2] : memref<4096xi32, #tpu.memory_space<hbm>> -> memref<128xi32, #tpu.memory_space<hbm>>
      tpu.wait_dma2 semaphore(%run_scoped3A : memref<!tpu.dma_semaphore, #tpu.memory_space<semaphore_mem>>) src(%arg12 : memref<128xi32, #tpu.memory_space<vmem>>) dst(%dma_wait3A_15 : memref<128xi32, #tpu.memory_space<hbm>>)
      tpu.yield
    }) : () -> ()
    return
  }
}

module attributes {stable_mosaic.version = 14 : i64} {
  func.func @body(%arg0: i32, %arg1: memref<4x2048xf32, #tpu.memory_space<vmem>>, %arg2: memref<104x8xf32, #tpu.memory_space<vmem>>, %arg3: memref<2048xi32, #tpu.memory_space<vmem>>, %arg4: memref<2048xf32, #tpu.memory_space<vmem>>, %arg5: memref<2048xi32, #tpu.memory_space<vmem>>) attributes {dimension_semantics = [#tpu.dimension_semantics<arbitrary>], iteration_bounds = array<i64: 8>, scalar_prefetch = 0 : i64, scratch_operands = 0 : i64, tpu.core_type = #tpu.core_type<tc>, window_params = [{transform_indices = @transform_0, window_bounds = array<i64: 4, 2048>}, {pipeline_mode = #tpu.pipeline_mode<synchronous>, transform_indices = @transform_1, window_bounds = array<i64: 104, 8>}, {transform_indices = @transform_2, window_bounds = array<i64: 2048>}, {transform_indices = @transform_3, window_bounds = array<i64: 2048>}, {transform_indices = @transform_4, window_bounds = array<i64: 2048>}]} {
    %get3A = arith.constant 0 : index
    %get3A_0 = arith.constant 0 : index
    %get3A_1 = vector.load %arg1[%get3A, %get3A_0] : memref<4x2048xf32, #tpu.memory_space<vmem>>, vector<1x2048xf32>
    %get3A_2 = arith.constant 1 : index
    %get3A_3 = arith.constant 0 : index
    %get3A_4 = vector.load %arg1[%get3A_2, %get3A_3] : memref<4x2048xf32, #tpu.memory_space<vmem>>, vector<1x2048xf32>
    %get3A_5 = arith.constant 2 : index
    %get3A_6 = arith.constant 0 : index
    %get3A_7 = vector.load %arg1[%get3A_5, %get3A_6] : memref<4x2048xf32, #tpu.memory_space<vmem>>, vector<1x2048xf32>
    %get3A_8 = arith.constant 3 : index
    %get3A_9 = arith.constant 0 : index
    %get3A_10 = vector.load %arg1[%get3A_8, %get3A_9] : memref<4x2048xf32, #tpu.memory_space<vmem>>, vector<1x2048xf32>
    %sub3A = arith.subf %get3A_7, %get3A_1 : vector<1x2048xf32>
    %max3A = arith.constant 0.000000e+00 : f32
    %max3A_11 = vector.broadcast %max3A : f32 to vector<1x2048xf32>
    %max3A_12 = arith.maximumf %sub3A, %max3A_11 : vector<1x2048xf32>
    %sub3A_13 = arith.subf %get3A_10, %get3A_4 : vector<1x2048xf32>
    %max3A_14 = arith.constant 0.000000e+00 : f32
    %max3A_15 = vector.broadcast %max3A_14 : f32 to vector<1x2048xf32>
    %max3A_16 = arith.maximumf %sub3A_13, %max3A_15 : vector<1x2048xf32>
    %mul3A = arith.mulf %max3A_12, %max3A_16 : vector<1x2048xf32>
    %get3A_17 = arith.constant 0 : index
    %get3A_18 = arith.constant 4 : index
    %get3A_19 = vector.load %arg2[%get3A_17, %get3A_18] : memref<104x8xf32, #tpu.memory_space<vmem>>, vector<104x1xf32>
    %ne3A = arith.constant -1.000000e+00 : f32
    %ne3A_20 = vector.broadcast %ne3A : f32 to vector<104x1xf32>
    %ne3A_21 = arith.cmpf one, %get3A_19, %ne3A_20 : vector<104x1xf32>
    %get3A_22 = arith.constant 0 : index
    %get3A_23 = arith.constant 0 : index
    %get3A_24 = vector.load %arg2[%get3A_22, %get3A_23] : memref<104x8xf32, #tpu.memory_space<vmem>>, vector<104x1xf32>
    %jit3A = arith.constant 0.000000e+00 : f32
    %broadcast_in_dim3A = vector.broadcast %jit3A : f32 to vector<104x1xf32>
    %select_n3A = arith.select %ne3A_21, %get3A_24, %broadcast_in_dim3A : vector<104x1xi1>, vector<104x1xf32>
    %get3A_25 = arith.constant 0 : index
    %get3A_26 = arith.constant 1 : index
    %get3A_27 = vector.load %arg2[%get3A_25, %get3A_26] : memref<104x8xf32, #tpu.memory_space<vmem>>, vector<104x1xf32>
    %jit3A_28 = arith.constant 0.000000e+00 : f32
    %broadcast_in_dim3A_29 = vector.broadcast %jit3A_28 : f32 to vector<104x1xf32>
    %select_n3A_30 = arith.select %ne3A_21, %get3A_27, %broadcast_in_dim3A_29 : vector<104x1xi1>, vector<104x1xf32>
    %get3A_31 = arith.constant 0 : index
    %get3A_32 = arith.constant 2 : index
    %get3A_33 = vector.load %arg2[%get3A_31, %get3A_32] : memref<104x8xf32, #tpu.memory_space<vmem>>, vector<104x1xf32>
    %jit3A_34 = arith.constant 0.000000e+00 : f32
    %broadcast_in_dim3A_35 = vector.broadcast %jit3A_34 : f32 to vector<104x1xf32>
    %select_n3A_36 = arith.select %ne3A_21, %get3A_33, %broadcast_in_dim3A_35 : vector<104x1xi1>, vector<104x1xf32>
    %get3A_37 = arith.constant 0 : index
    %get3A_38 = arith.constant 3 : index
    %get3A_39 = vector.load %arg2[%get3A_37, %get3A_38] : memref<104x8xf32, #tpu.memory_space<vmem>>, vector<104x1xf32>
    %jit3A_40 = arith.constant 0.000000e+00 : f32
    %broadcast_in_dim3A_41 = vector.broadcast %jit3A_40 : f32 to vector<104x1xf32>
    %select_n3A_42 = arith.select %ne3A_21, %get3A_39, %broadcast_in_dim3A_41 : vector<104x1xi1>, vector<104x1xf32>
    %sub3A_43 = arith.subf %select_n3A_36, %select_n3A : vector<104x1xf32>
    %max3A_44 = arith.constant 0.000000e+00 : f32
    %max3A_45 = vector.broadcast %max3A_44 : f32 to vector<104x1xf32>
    %max3A_46 = arith.maximumf %sub3A_43, %max3A_45 : vector<104x1xf32>
    %sub3A_47 = arith.subf %select_n3A_42, %select_n3A_30 : vector<104x1xf32>
    %max3A_48 = arith.constant 0.000000e+00 : f32
    %max3A_49 = vector.broadcast %max3A_48 : f32 to vector<104x1xf32>
    %max3A_50 = arith.maximumf %sub3A_47, %max3A_49 : vector<104x1xf32>
    %mul3A_51 = arith.mulf %max3A_46, %max3A_50 : vector<104x1xf32>
    %convert_element_type3A = arith.fptosi %get3A_19 : vector<104x1xf32> to vector<104x1xi32>
    %min3A = vector.broadcast %get3A_7 : vector<1x2048xf32> to vector<104x2048xf32>
    %min3A_52 = vector.broadcast %select_n3A_36 : vector<104x1xf32> to vector<104x2048xf32>
    %min3A_53 = arith.minimumf %min3A, %min3A_52 : vector<104x2048xf32>
    %max3A_54 = vector.broadcast %get3A_1 : vector<1x2048xf32> to vector<104x2048xf32>
    %max3A_55 = vector.broadcast %select_n3A : vector<104x1xf32> to vector<104x2048xf32>
    %max3A_56 = arith.maximumf %max3A_54, %max3A_55 : vector<104x2048xf32>
    %sub3A_57 = arith.subf %min3A_53, %max3A_56 : vector<104x2048xf32>
    %max3A_58 = arith.constant 0.000000e+00 : f32
    %max3A_59 = vector.broadcast %max3A_58 : f32 to vector<104x2048xf32>
    %max3A_60 = arith.maximumf %sub3A_57, %max3A_59 : vector<104x2048xf32>
    %min3A_61 = vector.broadcast %get3A_10 : vector<1x2048xf32> to vector<104x2048xf32>
    %min3A_62 = vector.broadcast %select_n3A_42 : vector<104x1xf32> to vector<104x2048xf32>
    %min3A_63 = arith.minimumf %min3A_61, %min3A_62 : vector<104x2048xf32>
    %max3A_64 = vector.broadcast %get3A_4 : vector<1x2048xf32> to vector<104x2048xf32>
    %max3A_65 = vector.broadcast %select_n3A_30 : vector<104x1xf32> to vector<104x2048xf32>
    %max3A_66 = arith.maximumf %max3A_64, %max3A_65 : vector<104x2048xf32>
    %sub3A_67 = arith.subf %min3A_63, %max3A_66 : vector<104x2048xf32>
    %max3A_68 = arith.constant 0.000000e+00 : f32
    %max3A_69 = vector.broadcast %max3A_68 : f32 to vector<104x2048xf32>
    %max3A_70 = arith.maximumf %sub3A_67, %max3A_69 : vector<104x2048xf32>
    %mul3A_71 = arith.mulf %max3A_60, %max3A_70 : vector<104x2048xf32>
    %add3A = vector.broadcast %mul3A : vector<1x2048xf32> to vector<104x2048xf32>
    %add3A_72 = vector.broadcast %mul3A_51 : vector<104x1xf32> to vector<104x2048xf32>
    %add3A_73 = arith.addf %add3A, %add3A_72 : vector<104x2048xf32>
    %sub3A_74 = arith.subf %add3A_73, %mul3A_71 : vector<104x2048xf32>
    %max3A_75 = arith.constant 1.000000e-10 : f32
    %max3A_76 = vector.broadcast %max3A_75 : f32 to vector<104x2048xf32>
    %max3A_77 = arith.maximumf %sub3A_74, %max3A_76 : vector<104x2048xf32>
    %div3A = arith.divf %mul3A_71, %max3A_77 : vector<104x2048xf32>
    %reduce_max3A = arith.constant dense<0xFF800000> : vector<2048xf32>
    %reduce_max3A_78 = vector.multi_reduction <maximumf>, %div3A, %reduce_max3A [0] : vector<104x2048xf32> to vector<2048xf32>
    %broadcast_in_dim3A_79 = vector.shape_cast %reduce_max3A_78 : vector<2048xf32> to vector<1x2048xf32>
    %iota3A = tpu.iota {dimensions = array<i32: 0>} : vector<104x2048xi32>
    %eq3A = vector.broadcast %broadcast_in_dim3A_79 : vector<1x2048xf32> to vector<104x2048xf32>
    %eq3A_80 = arith.cmpf oeq, %div3A, %eq3A : vector<104x2048xf32>
    %jit3A_81 = arith.constant 104 : i32
    %broadcast_in_dim3A_82 = vector.broadcast %jit3A_81 : i32 to vector<104x2048xi32>
    %select_n3A_83 = arith.select %eq3A_80, %iota3A, %broadcast_in_dim3A_82 : vector<104x2048xi1>, vector<104x2048xi32>
    %reduce_min3A = arith.constant dense<2147483647> : vector<2048xi32>
    %reduce_min3A_84 = vector.multi_reduction <minsi>, %select_n3A_83, %reduce_min3A [0] : vector<104x2048xi32> to vector<2048xi32>
    %broadcast_in_dim3A_85 = vector.shape_cast %reduce_min3A_84 : vector<2048xi32> to vector<1x2048xi32>
    %eq3A_86 = vector.broadcast %broadcast_in_dim3A_85 : vector<1x2048xi32> to vector<104x2048xi32>
    %eq3A_87 = arith.cmpi eq, %iota3A, %eq3A_86 : vector<104x2048xi32>
    %jit3A_88 = arith.constant -2147483648 : i32
    %broadcast_in_dim3A_89 = vector.shape_cast %convert_element_type3A : vector<104x1xi32> to vector<104x1xi32>
    %broadcast_in_dim3A_90 = vector.broadcast %broadcast_in_dim3A_89 : vector<104x1xi32> to vector<104x2048xi32>
    %broadcast_in_dim3A_91 = vector.broadcast %jit3A_88 : i32 to vector<104x2048xi32>
    %select_n3A_92 = arith.select %eq3A_87, %broadcast_in_dim3A_90, %broadcast_in_dim3A_91 : vector<104x2048xi1>, vector<104x2048xi32>
    %reduce_max3A_93 = arith.constant dense<-2147483648> : vector<2048xi32>
    %reduce_max3A_94 = vector.multi_reduction <maxsi>, %select_n3A_92, %reduce_max3A_93 [0] : vector<104x2048xi32> to vector<2048xi32>
    %broadcast_in_dim3A_95 = vector.shape_cast %reduce_max3A_94 : vector<2048xi32> to vector<1x2048xi32>
    %gt3A = arith.constant 5.000000e-01 : f32
    %gt3A_96 = vector.broadcast %gt3A : f32 to vector<1x2048xf32>
    %gt3A_97 = arith.cmpf ogt, %broadcast_in_dim3A_79, %gt3A_96 : vector<1x2048xf32>
    %lt3A = arith.constant 4.000000e-01 : f32
    %lt3A_98 = vector.broadcast %lt3A : f32 to vector<1x2048xf32>
    %lt3A_99 = arith.cmpf olt, %broadcast_in_dim3A_79, %lt3A_98 : vector<1x2048xf32>
    %add3A_100 = arith.constant 1 : i32
    %add3A_101 = vector.broadcast %add3A_100 : i32 to vector<1x2048xi32>
    %add3A_102 = arith.addi %broadcast_in_dim3A_85, %add3A_101 : vector<1x2048xi32>
    %jit3A_103 = arith.constant 0 : i32
    %jit3A_104 = arith.constant -1 : i32
    %broadcast_in_dim3A_105 = vector.broadcast %jit3A_103 : i32 to vector<1x2048xi32>
    %broadcast_in_dim3A_106 = vector.broadcast %jit3A_104 : i32 to vector<1x2048xi32>
    %select_n3A_107 = arith.select %lt3A_99, %broadcast_in_dim3A_105, %broadcast_in_dim3A_106 : vector<1x2048xi1>, vector<1x2048xi32>
    %select_n3A_108 = arith.select %gt3A_97, %add3A_102, %select_n3A_107 : vector<1x2048xi1>, vector<1x2048xi32>
    %squeeze3A = vector.shape_cast %select_n3A_108 : vector<1x2048xi32> to vector<2048xi32>
    %swap3A = arith.constant 0 : index
    %swap3A_109 = vector.load %arg3[%swap3A] : memref<2048xi32, #tpu.memory_space<vmem>>, vector<2048xi32>
    tpu.vector_store %arg3[%swap3A], %squeeze3A {strides = array<i32>} : memref<2048xi32, #tpu.memory_space<vmem>>, vector<2048xi32>,
    %squeeze3A_110 = vector.shape_cast %broadcast_in_dim3A_79 : vector<1x2048xf32> to vector<2048xf32>
    %swap3A_111 = arith.constant 0 : index
    %swap3A_112 = vector.load %arg4[%swap3A_111] : memref<2048xf32, #tpu.memory_space<vmem>>, vector<2048xf32>
    tpu.vector_store %arg4[%swap3A_111], %squeeze3A_110 {strides = array<i32>} : memref<2048xf32, #tpu.memory_space<vmem>>, vector<2048xf32>,
    %jit3A_113 = arith.constant -1 : i32
    %broadcast_in_dim3A_114 = vector.broadcast %jit3A_113 : i32 to vector<1x2048xi32>
    %select_n3A_115 = arith.select %gt3A_97, %broadcast_in_dim3A_95, %broadcast_in_dim3A_114 : vector<1x2048xi1>, vector<1x2048xi32>
    %squeeze3A_116 = vector.shape_cast %select_n3A_115 : vector<1x2048xi32> to vector<2048xi32>
    %swap3A_117 = arith.constant 0 : index
    %swap3A_118 = vector.load %arg5[%swap3A_117] : memref<2048xi32, #tpu.memory_space<vmem>>, vector<2048xi32>
    tpu.vector_store %arg5[%swap3A_117], %squeeze3A_116 {strides = array<i32>} : memref<2048xi32, #tpu.memory_space<vmem>>, vector<2048xi32>,
    return
  }
  func.func @transform_0(%arg0: i32) -> (i32, i32) {
    %add3A = arith.constant 2 : i32
    %add3A_0 = arith.addi %add3A, %arg0 : i32
    %c0_i32 = arith.constant 0 : i32
    %c0_i32_1 = arith.constant 0 : i32
    return %c0_i32, %add3A_0 : i32, i32
  }
  func.func @transform_1(%arg0: i32) -> (i32, i32) {
    %c0_i32 = arith.constant 0 : i32
    %c0_i32_0 = arith.constant 0 : i32
    %c0_i32_1 = arith.constant 0 : i32
    return %c0_i32, %c0_i32_0 : i32, i32
  }
  func.func @transform_2(%arg0: i32) -> i32 {
    %c0_i32 = arith.constant 0 : i32
    return %arg0 : i32
  }
  func.func @transform_3(%arg0: i32) -> i32 {
    %c0_i32 = arith.constant 0 : i32
    return %arg0 : i32
  }
  func.func @transform_4(%arg0: i32) -> i32 {
    %c0_i32 = arith.constant 0 : i32
    return %arg0 : i32
  }
}

</mosaic_0001>

<sc_bundles>
// kernel: kernel.4.cloned.1.call-start
scs
__scs_entry_jumppad:
0x0: {  	(pc) =	sbr.rel $0x88, $3  }
0x1: {  	(tag) =	ssettag $0x0;
	lr =	simm.s32 $0x1  }
0x2: {  	[smem:$0x3F9F] =	sst lr;
	_ =	strace $0xD0000000  }
0x3: {  	_ = 	snop  }
0x4: {  	_ = 	snop  }
0x5: {  	_ = 	snop  }
0x6: {  	_ = 	snop  }
0x7: {  	_ = 	snop  }
__scs_overlays_trampoline_lowered:
0x8: {  	[smem:$0x3FAE] =	sst s0  }
0x9: {  	[smem:$0x3FAF] =	sst s1  }
0xa: {  	[smem:$0x3FB0] =	sst s2  }
0xb: {  	[smem:$0x3FB1] =	sst s3  }
0xc: {  	[smem:$0x3FB2] =	sst s4  }
0xd: {  	[smem:$0x3FB3] =	sst s5  }
0xe: {  	[smem:$0x3FB4] =	sst s6  }
0xf: {  	[smem:$0x3FB5] =	sst s7  }
0x10: {  	[smem:$0x3FB6] =	sst s8  }
0x11: {  	[smem:$0x3FB7] =	sst s9;
	s0 =	simm.s32 @!p0 $0x0  }
0x12: {  	s1 =	sld [smem:$0x3F9D];
	s0 =	simm.s32 @p0 $0x1  }
0x13: {  	[smem:$0x3FB8] =	sst s0;
	s0 =	simm.s32 @!p1 $0x0  }
0x14: {  	s2 =	sld [smem:$0x3F9C];
	s0 =	simm.s32 @p1 $0x1  }
0x15: {  	[smem:$0x3FB9] =	sst s0;
	s0 =	simm.s32 @!p2 $0x0  }
0x16: {  	s3 =	sld [smem:$0x3FDB];
	s0 =	simm.s32 @p2 $0x1  }
0x17: {  	s4 =	simm.s32 $0x1BF5;
	[smem:$0x3FBB] =	sst s0  }
0x18: {  	s0 =	sld [smem:$0x3F9E];
	_ =	swait.ge [sflag:s4], $0x0  }
0x19: {  	s7 =	sld [smem:$0x3F9F]  }
0x1a: {  	s8 =	sadd.s32 $0xFFFFE003, lr  }
0x1b: {  	s9 =	sadd.s32 $0xFFFFFEF7, lr;
	s5 =	simm.s32 $0xFFFFFFFF;
	p2 =	slt.u32 s8, $0xFFFFF086  }
0x1c: {  	p1 =	slt.u32 s9, $0xF7A;
	s5 =	simm.s32 @!p2 $0x0  }
0x1d: {  	s5 =	simm.s32 @p1 $0x1;
	p0 =	seq.s32 s7, s2  }
0x1e: {  	s7 =	smul.u32 @!p0 $0xF7A, s2;
	p2 =	seq.s32 @!p0 s5, $0x0  }
0x1f: {  	s9 =	smul.u32 $0xF7A, s1;
	s8 =	simm.s32 @!p0 $0x1BF5;
	p2 =	por !p2, p0  }
0x20: {  	[sflag:s8] =	ssyncset.s32 @!p0 $0xFFFFF086;
	s6 =	sadd.s32 @!p0 s3, s7;
	s7 =	simm.s32 @!p0 $0x108  }
0x21: {  	s3 =	sadd.s32 s3, s9;
	s6 =	sadd.s32 @!p0 $0x88, s6;
	s7 =	simm.s32 @p2 $0x1082  }
0x22: {  	[simem:s7], [sflag:s8] =	dma.local @!p0 [hbm:s6], $0xF7A  }
0x23: {  	s9 =	sor.u32 $0xD0000000, s2;
	s6 =	simm.s32 $0x108;
	_ =	swait.ge @!p0 [sflag:s8], $0x0  }
0x24: {  	s3 =	sadd.s32 $0x88, s3;
	s6 =	simm.s32 @!p1 $0x1082;
	[sflag:s4] =	ssyncset.s32 $0xFFFFF086  }
0x25: {  	[simem:s6], [sflag:s4] =	dma.local [hbm:s3], $0xF7A  }
0x26: {  	[smem:$0x3F9F] =	sst s1;
	(tag) =	ssettag s2;
	_ =	strace s9  }
0x27: {  	s1 =	sld [smem:$0x3FAF]  }
0x28: {  	s2 =	sld [smem:$0x3FB0]  }
0x29: {  	s4 =	sld [smem:$0x3FB2]  }
0x2a: {  	p0 =	seq.s32 s5, $0x0;
	s5 =	sld [smem:$0x3FB3]  }
0x2b: {  	s6 =	sld [smem:$0x3FB4]  }
0x2c: {  	s7 =	sld [smem:$0x3FB5]  }
0x2d: {  	s3 =	simm.s32 $0x108;
	s8 =	sld [smem:$0x3FB6]  }
0x2e: {  	s3 =	simm.s32 @!p0 $0x1082;
	s9 =	sld [smem:$0x3FB7]  }
0x2f: {  	lr =	sadd.s32 s0, s3;
	s0 =	sld [smem:$0x3FAE]  }
0x30: {  	s3 =	sld [smem:$0x3FB1]  }
0x31: {  	[smem:$0x3FBA] =	sst s10  }
0x32: {  	s10 =	sld [smem:$0x3FB8];
	_ =	sdelay $0x3  }
0x33: {  	p0 =	seq.s32 s10, $0x1;
	s10 =	sld [smem:$0x3FBA];
	_ =	sdelay $0x3  }
0x34: {  	[smem:$0x3FBA] =	sst s10  }
0x35: {  	s10 =	sld [smem:$0x3FB9];
	_ =	sdelay $0x3  }
0x36: {  	p1 =	seq.s32 s10, $0x1;
	s10 =	sld [smem:$0x3FBA];
	_ =	sdelay $0x3  }
0x37: {  	[smem:$0x3FBA] =	sst s10  }
0x38: {  	s10 =	sld [smem:$0x3FBB]  }
0x39: {  	_ = 	snop;
	(pc) =	sbr.ind lr, $3  }
0x3a: {  	_ = 	snop  }
0x3b: {  	_ = 	snop  }
0x3c: {  	p2 =	seq.s32 s10, $0x1;
	s10 =	sld [smem:$0x3FBA]  }
0x3d: {  	_ =	shalt  }
0x3e: {  	_ =	shalt  }
0x3f: {  	_ =	shalt  }
0x40: {  	_ =	shalt  }
0x41: {  	_ =	shalt  }
0x42: {  	_ =	shalt  }
0x43: {  	_ =	shalt  }
0x44: {  	_ =	shalt  }
0x45: {  	_ =	shalt  }
0x46: {  	_ =	shalt  }
0x47: {  	_ =	shalt  }
0x48: {  	_ =	shalt  }
0x49: {  	_ =	shalt  }
0x4a: {  	_ =	shalt  }
0x4b: {  	_ =	shalt  }
0x4c: {  	_ =	shalt  }
0x4d: {  	_ =	shalt  }
0x4e: {  	_ =	shalt  }
0x4f: {  	_ =	shalt  }
0x50: {  	_ =	shalt  }
0x51: {  	_ =	shalt  }
0x52: {  	_ =	shalt  }
0x53: {  	_ =	shalt  }
0x54: {  	_ =	shalt  }
0x55: {  	_ =	shalt  }
0x56: {  	_ =	shalt  }
0x57: {  	_ =	shalt  }
0x58: {  	_ =	shalt  }
0x59: {  	_ =	shalt  }
0x5a: {  	_ =	shalt  }
0x5b: {  	_ =	shalt  }
0x5c: {  	_ =	shalt  }
0x5d: {  	_ =	shalt  }
0x5e: {  	_ =	shalt  }
0x5f: {  	_ =	shalt  }
0x60: {  	_ =	shalt  }
0x61: {  	_ =	shalt  }
0x62: {  	_ =	shalt  }
0x63: {  	_ =	shalt  }
0x64: {  	_ =	shalt  }
0x65: {  	_ =	shalt  }
0x66: {  	_ =	shalt  }
0x67: {  	_ =	shalt  }
0x68: {  	_ =	shalt  }
0x69: {  	_ =	shalt  }
0x6a: {  	_ =	shalt  }
0x6b: {  	_ =	shalt  }
0x6c: {  	_ =	shalt  }
0x6d: {  	_ =	shalt  }
0x6e: {  	_ =	shalt  }
0x6f: {  	_ =	shalt  }
0x70: {  	_ =	shalt  }
0x71: {  	_ =	shalt  }
0x72: {  	_ =	shalt  }
0x73: {  	_ =	shalt  }
0x74: {  	_ =	shalt  }
0x75: {  	_ =	shalt  }
0x76: {  	_ =	shalt  }
0x77: {  	_ =	shalt  }
0x78: {  	_ =	shalt  }
0x79: {  	_ =	shalt  }
0x7a: {  	_ =	shalt  }
0x7b: {  	_ =	shalt  }
0x7c: {  	_ =	shalt  }
0x7d: {  	_ =	shalt  }
0x7e: {  	_ =	shalt  }
0x7f: {  	_ =	shalt  }
0x80: {  	_ =	shalt  }
0x81: {  	_ =	shalt  }
0x82: {  	_ =	shalt  }
0x83: {  	_ =	shalt  }
0x84: {  	_ =	shalt  }
0x85: {  	_ =	shalt  }
0x86: {  	_ =	shalt  }
0x87: {  	_ =	shalt  }
.Lfunc_end0:
.L_simem_size_0:
called_computation_lowered:
.L_overlay_start_0:
0x88: {  	s2 =	sld [smem:$0x3FD9]  }
0x89: {  	s3 =	sld [smem:$0x3FFE];
	_ =	sdelay $0x1  }
0x8a: {  	s1 =	srdreg.scid  }
0x8b: {  	s0 =	sand.u32 $0x1, s1  }
0x8c: {  	s14 =	sshll.u32 s0, $0xA;
	s2 =	sadd.s32 s3, s2  }
0x8d: {  	s2 =	sadd.s32 s2, s14  }
0x8e: {  	[smem:$0x3FC6] =	sst s2  }
0x8f: {  	_ = 	snop  }
0x90: {  	s2 =	sld [smem:$0x3FD0];
	_ =	sdelay $0x2  }
0x91: {  	s4 =	simm.s32 $0xA;
	s5 =	simm.s32 $0x10;
	s15 =	sld [smem:$0x3FC9]  }
0x92: {  	[smem:s5], [sflag:s4] =	dma.local [hbm:s2], $0x1  }
0x93: {  	_ =	swait.eq [sflag:s4], $0x1  }
0x94: {  	s16 =	sld [smem:$0x10];
	[sflag:s4] =	ssyncset.done $0x0  }
0x95: {  	s17 =	sld [smem:$0x11];
	[sflag:s4] =	ssyncadd.s32 $0xFFFFFFFF  }
0x96: {  	s18 =	sld [smem:$0x12];
	(tm) =	ssettm $0x1  }
0x97: {  	s6 =	sld [smem:$0x3FFB];
	_ =	sdelay $0x3  }
0x98: {  	_ =	strace s6  }
0x99: {  	s6 =	sld [smem:$0x3FFC];
	_ =	sdelay $0x3  }
0x9a: {  	_ =	strace s6  }
0x9b: {  	s6 =	sld [smem:$0x3FFD];
	_ =	sdelay $0x3  }
0x9c: {  	_ =	strace s6  }
0x9d: {  	_ =	strace $0x8FFFFFFF  }
0x9e: {  	s19 =	sld [smem:$0x3FDB];
	_ =	sdelay $0x1  }
0x9f: {  	s7 =	simm.s32 $_scs_section_size  }
0xa0: {  	s8 =	simm.s32 $_size__tile_overlayer_lowered;
	s9 =	simm.s32 $_tile_overlayer_lowered  }
0xa1: {  	s22 =	simm.s32 $0x1BFF;
	s21 =	sshll.u32 s9, $0x1;
	s6 =	sadd.s32 s7, s19  }
0xa2: {  	s10 =	simm.s32 $0x0;
	s20 =	sshll.u32 s8, $0x1;
	s8 =	sadd.s32 s21, s6  }
0xa3: {  	[timem:s10], [sflag:s22] =	dma.local [hbm:s8], s20  }
0xa4: {  	_ =	swait.ge [sflag:s22], s20  }
0xa5: {  	s7 =	ssub.s32 $0x0, s20;
	[sflag:s22] =	ssyncset.done $0x0  }
0xa6: {  	[sflag:s22] =	ssyncadd.s32 s7;
	_ =	sdelay $0x1  }
0xa7: {  	s23 =	simm.s32 $0x1B8B  }
0xa8: {  	_ =	swait.ge [sflag:s23], $0x1  }
0xa9: {  	[sflag:s23] =	ssyncset.done $0x0  }
0xaa: {  	s25 =	simm.s32 $0x1B8E;
	s24 =	sld [smem:$0x3FFE];
	[sflag:s23] =	ssyncadd.s32 $0xFFFFFFFF  }
0xab: {  	s26 =	simm.s32 $execute0_lowered;
	[smem:$0x3FD2] =	sst s25  }
0xac: {  	s8 =	sshll.u32 s26, $0x1;
	_ =	strace $0x80000046;
	[dreg:$0x1] =	wrdreg $0xFFFFFFFF  }
0xad: {  	s28 =	simm.s32 $_size_execute0_lowered;
	s6 =	sadd.s32 s6, s8;
	[dreg:$0x0] =	wrdreg $0x0  }
0xae: {  	s8 =	sshll.u32 s28, $0x1;
	[dreg:$0x2] =	wrdreg s6  }
0xaf: {  	[dreg:$0x3] =	wrdreg s8  }
0xb0: {  	[dreg:$0x4] =	wrdreg $0xC0  }
0xb1: {  	_ =	task [dreg:s10], $0x5FFFF  }
0xb2: {  	[dreg:$0x1] =	wrdreg $0xFFFFFFFF  }
0xb3: {  	[dreg:$0x0] =	wrdreg $0x60  }
0xb4: {  	[dreg:$0x2] =	wrdreg s15  }
0xb5: {  	[dreg:$0x3] =	wrdreg s17  }
0xb6: {  	[dreg:$0x4] =	wrdreg s18  }
0xb7: {  	[dreg:$0x5] =	wrdreg s16  }
0xb8: {  	[dreg:$0x6] =	wrdreg s24  }
0xb9: {  	[dreg:$0x7] =	wrdreg $0x9  }
0xba: {  	_ =	task.clear_ibuf [dreg:s10], $0x8FFFF;
	_ =	strace $0x90000046  }
0xbb: {  	s29 =	simm.s32 $0x9;
	_ =	strace $0x80000048  }
0xbc: {  	_ =	swait.ge [sflag:s29], $0x1  }
0xbd: {  	[sflag:s29] =	ssyncadd.s32 $0xFFFFFFFF  }
0xbe: {  	_ =	strace $0x90000048  }
0xbf: {  	_ =	sfence  }
0xc0: {  	s30 =	sld [smem:$0x0];
	_ =	sdelay $0x2  }
0xc1: {  	s31 =	sshll.u32 s1, $0xD;
	s1 =	sshrl.u32 s1, $0x2  }
0xc2: {  	s3 =	sand.u32 $0x4000, s31;
	s1 =	sadd.s32 s1, s30  }
0xc3: {  	s0 =	sor.u32 s3, s0;
	s1 =	sshll.u32 s1, $0x11  }
0xc4: {  	s0 =	sor.u32 s1, s0  }
0xc5: {  	s0 =	sadd.s32 $0x8F2B, s0  }
0xc6: {  	[sflag:s0] =	ssyncadd.remote.s32 $0x1  }
0xc7: {  	_ =	sfence.sel $0xFFFF  }
0xc8: {  	[dreg:$0x0] =	wrdreg $0xFFFFFFFF;
	(pc) =	sbr.abs _section_cstart, $3  }
0xc9: {  	[dreg:$0x1] =	wrdreg $0xFFFFFFFF  }
0xca: {  	_ =	task.clear_ibuf [dreg:s10], $0x2FFFF;
	_ =	strace $0x9FFFFFFF  }
0xcb: {  	(tm) =	ssettm $0x7FFFFFFF  }
tec
execute0_lowered:
.L_overlay_start_1:
0x0: {  	(tag) =	ssettag $0x1  }
0x1: {  	s4 =	rddreg [dreg:$0x0]  }
0x2: {  	s1 =	rddreg [dreg:$0x1]  }
0x3: {  	s5 =	rddreg [dreg:$0x2]  }
0x4: {  	s6 =	rddreg [dreg:$0x3]  }
0x5: {  	s7 =	rddreg [dreg:$0x4]  }
0x6: {  	s0 =	rddreg [dreg:$0x5]  }
0x7: {  	s3 =	simm.s32 $0x0;
	s8 =	srdreg.scid;
	s2 =	stileid.u32  }
0x8: {  	s12 =	simm.s32 $0x2900;
	s8 =	sand.u32 $0x1, s8;
	s9 =	sshll.u32 s2, $0x1  }
0x9: {  	s13 =	simm.s32 $0x0;
	[smem:$0x7FF] =	sst s3;
	s9 =	sor.u32 s8, s9  }
0xa: {  	_ =	strace $0x80000047;
	s8 =	ssub.s32 $0x2, s8;
	s10 =	sshll.u32 s9, $0x4  }
0xb: {  	s11 =	sshrl.u32 s8, $0x1;
	s9 =	sshll.u32 s9, $0x6;
	s7 =	sadd.s32 s10, s7  }
0xc: {  	s8 =	ssub.s32 s8, s11;
	s4 =	sadd.s32 s4, s9;
	s5 =	sadd.s32 s5, s10  }
0xd: {  	s6 =	sadd.s32 s6, s10;
	s9 =	simm.s32 $0x1;
	s10 =	simm.s32 $0x2800  }
0xe: {  	v0 =	vimm.s32 $0x0;
	s11 =	simm.s32 $0x2880;
	s7 =	sadd.s32 $0x1200, s7;
	s8 =	smax.u32 s8, $0x1  }
.LBB2_1:
0xf: {  	[tilespmem:s3], [sflag:$0x1] =	stream.linear.gather [hbm4b:s4+s3], $0x200, $0x38;
	[tilespmem:$0x2D00] =	vst v63  }
0x10: {  	_ =	swait.ge [sflag:s9], $0x200  }
0x11: {  	[sflag:s9] =	ssyncset.done $0x0  }
0x12: {  	s15 =	simm.s32 $0x2980;
	[sflag:s9] =	ssyncadd.s32 $0xFFFFFE00  }
0x13: {  	[tilespmem:s15], [sflag:$0x1] =	stream.linear.gather [hbm4b:s1+s3], $0x380, $0x38;
	[tilespmem:$0x2D00] =	vst v63  }
0x14: {  	_ =	swait.ge [sflag:s9], $0x380  }
0x15: {  	[sflag:s9] =	ssyncset.done $0x0  }
0x16: {  	[sflag:s9] =	ssyncadd.s32 $0xFFFFFC80  }
0x17: {  	v1 =	vld [tilespmem:s15+$0x0];
	_ =	sdelay $0x4  }
0x18: {  	(v2sf) =	vpush v1, $0x4;
	_ =	sdelay $0x1  }
0x19: {  	(v2sf) =	vpush v1, $0x3  }
0x1a: {  	(v2sf) =	vpush v1, $0x2  }
0x1b: {  	(v2sf) =	vpush v1, $0x0  }
0x1c: {  	(v2sf) =	vpush v1, $0x1;
	_ =	sdelay $0x9  }
0x1d: {  	s14 =	spop (v2sf)  }
0x1e: {  	p0 =	slt.f32 s14, $-1.000000000e+00  }
0x1f: {  	s19 =	spop (v2sf);
	p1 =	sgt.f32 s14, $-1.000000000e+00  }
0x20: {  	s14 =	spop (v2sf)  }
0x21: {  	s18 =	spop (v2sf);
	p0 =	por p1, p0  }
0x22: {  	s17 =	spop (v2sf);
	s18 =	simm.s32 @!p0 $0x0;
	s14 =	simm.s32 @!p0 $0x0  }
0x23: {  	s19 =	simm.s32 @!p0 $0x0;
	s17 =	simm.s32 @!p0 $0x0;
	s20 =	ssub.f32 s14, s18  }
0x24: {  	s16 =	simm.s32 $0x200;
	v1 =	vtrunc.f32 v1;
	v3 =	vmov s18;
	s21 =	ssub.f32 s19, s17  }
0x25: {  	v1 =	vcvt.f32.s32 v1;
	s18 =	simm.s32 $0x10;
	v2 =	vmov s17;
	[tilespmem:s16+$0x0] =	vst v3  }
0x26: {  	[tilespmem:s16+$0x640] =	vst v2;
	s22 =	smax.f32 s20, $0.0e+00;
	v2 =	vmov s14;
	s20 =	sand.u32 $0x7F0, s3;
	s21 =	smax.f32 s21, $0.0e+00  }
0x27: {  	v1 =	vbroadcast v1, $0x4;
	s17 =	simm.s32 $0x2180;
	[tilespmem:s20+$0xE80] =	vst v2;
	v2 =	vmov s19;
	s19 =	simm.s32 $0x2180;
	s21 =	smul.f32 s21, s22  }
.LBB2_2:
0x28: {  	[tilespmem:s16+$0x12C0] =	vst v2;
	s15 =	sadd.s32 $0x8, s15;
	s17 =	sadd.s32 $0x10, s17;
	s16 =	sadd.s32 $0x10, s16  }
0x29: {  	p0 =	sne.s32 s18, $0x630;
	s14 =	smov.u32 s18;
	s18 =	sadd.s32 $0x10, s18;
	v2 =	vmov s21  }
0x2a: {  	[tilespmem:s20+$0x1B00] =	vst v2  }
0x2b: {  	[tilespmem:s19+$0x0] =	vst v1;
	s19 =	smov.u32 s17  }
0x2c: {  	v2 =	vld [tilespmem:s15+$0x0];
	_ =	sdelay $0x4  }
0x2d: {  	v1 =	vtrunc.f32 v2;
	(v2sf) =	vpush v2, $0x4  }
0x2e: {  	v1 =	vcvt.f32.s32 v1;
	(v2sf) =	vpush v2, $0x3  }
0x2f: {  	(v2sf) =	vpush v2, $0x2  }
0x30: {  	v1 =	vbroadcast v1, $0x4;
	(v2sf) =	vpush v2, $0x0  }
0x31: {  	(v2sf) =	vpush v2, $0x1;
	_ =	sdelay $0xa  }
0x32: {  	s20 =	spop (v2sf)  }
0x33: {  	p1 =	slt.f32 s20, $-1.000000000e+00;
	s22 =	spop (v2sf)  }
0x34: {  	p2 =	sgt.f32 s20, $-1.000000000e+00;
	s20 =	spop (v2sf)  }
0x35: {  	s21 =	spop (v2sf)  }
0x36: {  	p1 =	por p2, p1;
	s23 =	spop (v2sf)  }
0x37: {  	s21 =	simm.s32 @!p1 $0x0;
	s23 =	simm.s32 @!p1 $0x0  }
0x38: {  	s20 =	simm.s32 @!p1 $0x0;
	s22 =	simm.s32 @!p1 $0x0;
	v2 =	vmov s21;
	v3 =	vmov s23  }
.Ltmp0:
0x39: {  	s21 =	ssub.f32 s20, s21;
	(pc) =	sbr.rel @p0 .LBB2_2-.Ltmp0, $4  }
0x3a: {  	s23 =	ssub.f32 s22, s23  }
0x3b: {  	s21 =	smax.f32 s21, $0.0e+00;
	[tilespmem:s16+$0x640] =	vst v3  }
0x3c: {  	s23 =	smax.f32 s23, $0.0e+00;
	[tilespmem:s16+$0x0] =	vst v2;
	v2 =	vmov s20;
	s20 =	sand.u32 $0x7F0, s14  }
0x3d: {  	s21 =	smul.f32 s23, s21;
	s14 =	simm.s32 $0x0;
	[tilespmem:s20+$0xE80] =	vst v2;
	v2 =	vmov s22  }
0x3e: {  	_ = 	snop  }
0x3f: {  	[tilespmem:s16+$0x12C0] =	vst v2;
	v2 =	vmov s21  }
0x40: {  	[tilespmem:s20+$0x1B00] =	vst v2  }
0x41: {  	s15 =	simm.s32 $0x0;
	[tilespmem:s19+$0x0] =	vst v1  }
.LBB2_4:
0x42: {  	s16 =	sshll.u32 s15, $0x5  }
0x43: {  	v1 =	vld [tilespmem:s16+$0x0]  }
0x44: {  	v2 =	vld [tilespmem:s16+$0x10]  }
0x45: {  	v3 =	vld [tilespmem:s16+$0x80]  }
0x46: {  	v4 =	vld [tilespmem:s16+$0x90]  }
0x47: {  	v5 =	vld [tilespmem:s16+$0x100]  }
0x48: {  	v6 =	vld [tilespmem:s16+$0x110]  }
0x49: {  	v7 =	vld [tilespmem:s16+$0x180]  }
0x4a: {  	s17 =	simm.s32 $0x200;
	v8 =	vld [tilespmem:s16+$0x190]  }
0x4b: {  	v13 =	vld [tilespmem:s17+$0x30]  }
0x4c: {  	v14 =	vld [tilespmem:s17+$0x670]  }
0x4d: {  	v15 =	vld [tilespmem:s17+$0x12F0]  }
0x4e: {  	v16 =	vld [tilespmem:s17+$0x20]  }
0x4f: {  	v17 =	vld [tilespmem:s17+$0x660]  }
0x50: {  	v18 =	vld [tilespmem:s17+$0x12E0]  }
0x51: {  	v19 =	vld [tilespmem:s17+$0x10]  }
0x52: {  	v20 =	vld [tilespmem:s17+$0x650];
	v9 =	vsub.f32 v5, v1  }
0x53: {  	v21 =	vld [tilespmem:s17+$0x12D0];
	v10 =	vsub.f32 v7, v3;
	v11 =	vsub.f32 v6, v2  }
0x54: {  	v24 =	vld [tilespmem:s17+$0x12C0];
	v12 =	vsub.f32 v8, v4;
	v22 =	vmax.f32 v1, v13;
	v23 =	vmin.f32 v7, v15  }
0x55: {  	v28 =	vld [tilespmem:s17+$0x640];
	v25 =	vmax.f32 v3, v14;
	v13 =	vmax.f32 v2, v13;
	v26 =	vmax.f32 v1, v16  }
0x56: {  	v34 =	vld [tilespmem:s17+$0x0];
	v15 =	vmin.f32 v8, v15;
	v14 =	vmax.f32 v4, v14;
	v29 =	vmin.f32 v7, v18  }
0x57: {  	s18 =	simm.s32 $0x30;
	v30 =	vmax.f32 v3, v17;
	v16 =	vmax.f32 v2, v16;
	v31 =	vmax.f32 v1, v19  }
0x58: {  	s18 =	sand.u32 $0x7F0, s18;
	v18 =	vmin.f32 v8, v18;
	v17 =	vmax.f32 v4, v17;
	v32 =	vmin.f32 v7, v21  }
0x59: {  	v36 =	vld [tilespmem:s18+$0xE80];
	v33 =	vmax.f32 v3, v20;
	v19 =	vmax.f32 v2, v19;
	v35 =	vmin.f32 v7, v24  }
0x5a: {  	s29 =	simm.s32 $0x0;
	v21 =	vmin.f32 v8, v21;
	v20 =	vmax.f32 v4, v20;
	v39 =	vmax.f32 v3, v28  }
0x5b: {  	v27 =	vld [tilespmem:s18+$0x1B00];
	s18 =	sand.u32 $0x7C0, s29;
	v24 =	vmin.f32 v8, v24;
	v52 =	vmax.f32 v1, v34;
	v23 =	vsub.f32 v23, v25  }
0x5c: {  	v50 =	vld [tilespmem:s18+$0xE80];
	v53 =	vmax.f32 v2, v34;
	v14 =	vsub.f32 v15, v14;
	v25 =	vsub.f32 v29, v30  }
0x5d: {  	v17 =	vsub.f32 v18, v17;
	v18 =	vmax.f32 v4, v28;
	v28 =	vsub.f32 v32, v33  }
0x5e: {  	v20 =	vsub.f32 v21, v20;
	v30 =	vsub.f32 v35, v39;
	v49 =	vmin.f32 v5, v36  }
0x5f: {  	v36 =	vmin.f32 v6, v36;
	v9 =	vmax.f32 v9, $0.0e+00;
	v18 =	vsub.f32 v24, v18  }
0x60: {  	s28 =	simm.s32 $0x20;
	v10 =	vmax.f32 v10, $0.0e+00;
	v22 =	vsub.f32 v49, v22;
	v13 =	vsub.f32 v36, v13  }
0x61: {  	s19 =	simm.s32 $0x10;
	s17 =	sand.u32 $0x7E0, s28;
	v42 =	vmin.f32 v5, v50;
	v33 =	vmin.f32 v6, v50;
	v9 =	vmul.f32 v10, v9  }
0x62: {  	s19 =	sand.u32 $0x7D0, s19;
	v38 =	vld [tilespmem:s17+$0x1B00];
	v10 =	vmax.f32 v11, $0.0e+00;
	v11 =	vmax.f32 v12, $0.0e+00;
	v12 =	vimm.f32 $-1.000000000e+00  }
0x63: {  	v15 =	vld [tilespmem:s19+$0x1B00];
	v23 =	vmax.f32 v23, $0.0e+00;
	v25 =	vmax.f32 v25, $0.0e+00;
	v17 =	vmax.f32 v17, $0.0e+00  }
0x64: {  	v29 =	vld [tilespmem:s18+$0x1B00];
	v14 =	vmax.f32 v14, $0.0e+00;
	v28 =	vmax.f32 v28, $0.0e+00;
	v20 =	vmax.f32 v20, $0.0e+00  }
0x65: {  	v21 =	vld [tilespmem:s17+$0xE80];
	v30 =	vmax.f32 v30, $0.0e+00;
	v10 =	vmul.f32 v11, v10;
	v11 =	vimm.s32 $0x0  }
0x66: {  	s17 =	simm.s32 $0x240;
	v24 =	vld [tilespmem:s19+$0xE80];
	v18 =	vmax.f32 v18, $0.0e+00;
	v22 =	vmax.f32 v22, $0.0e+00;
	v37 =	vadd.f32 v27, v9  }
0x67: {  	v56 =	vld [tilespmem:s17+$0x650];
	v13 =	vmax.f32 v13, $0.0e+00;
	v51 =	vadd.f32 v38, v9;
	v27 =	vadd.f32 v27, v10  }
0x68: {  	v58 =	vld [tilespmem:s17+$0x12C0];
	v23 =	vmul.f32 v23, v22;
	v38 =	vadd.f32 v38, v10;
	v54 =	vadd.f32 v15, v9  }
0x69: {  	v13 =	vmul.f32 v14, v13;
	v15 =	vadd.f32 v15, v10;
	v55 =	vadd.f32 v29, v9  }
0x6a: {  	v29 =	vadd.f32 v29, v10;
	v40 =	vmin.f32 v5, v21;
	v21 =	vmin.f32 v6, v21  }
0x6b: {  	v41 =	vmin.f32 v5, v24;
	v24 =	vmin.f32 v6, v24;
	v26 =	vsub.f32 v40, v26  }
0x6c: {  	v16 =	vsub.f32 v21, v16;
	v21 =	vsub.f32 v42, v52;
	v44 =	vmax.f32 v3, v56  }
0x6d: {  	v46 =	vmin.f32 v7, v58;
	v32 =	vmax.f32 v4, v56;
	v31 =	vsub.f32 v41, v31  }
0x6e: {  	v35 =	vmin.f32 v8, v58;
	v19 =	vsub.f32 v24, v19;
	v24 =	vsub.f32 v33, v53  }
0x6f: {  	v26 =	vmax.f32 v26, $0.0e+00;
	v16 =	vmax.f32 v16, $0.0e+00;
	v21 =	vmax.f32 v21, $0.0e+00  }
0x70: {  	v14 =	vmax.f32 v31, $0.0e+00;
	v19 =	vmax.f32 v19, $0.0e+00;
	v22 =	vmax.f32 v24, $0.0e+00  }
0x71: {  	v24 =	vmul.f32 v25, v26;
	v16 =	vmul.f32 v17, v16;
	v17 =	vsub.f32 v37, v23  }
0x72: {  	v14 =	vmul.f32 v28, v14;
	v28 =	vmul.f32 v20, v19;
	v19 =	vsub.f32 v27, v13  }
0x73: {  	v25 =	vld [tilespmem:s17+$0x30];
	v26 =	vmul.f32 v30, v21;
	v27 =	vmul.f32 v18, v22;
	v18 =	vsub.f32 v51, v24  }
0x74: {  	v21 =	vld [tilespmem:s17+$0x12F0];
	v17 =	vmax.f32 v17, $1.000000010e-10;
	v22 =	vsub.f32 v38, v16;
	v19 =	vmax.f32 v19, $1.000000010e-10  }
0x75: {  	v31 =	vld [tilespmem:s17+$0x12E0];
	(erf) = vrcp.f32 v17;
	v17 =	vsub.f32 v55, v26;
	v29 =	vsub.f32 v29, v27  }
0x76: {  	v20 =	vld [tilespmem:s17+$0x670];
	v15 =	vsub.f32 v15, v28;
	v18 =	vmax.f32 v18, $1.000000010e-10;
	(erf) = vrcp.f32 v19  }
0x77: {  	v30 =	vld [tilespmem:s17+$0x20];
	v22 =	vmax.f32 v22, $1.000000010e-10;
	(erf) = vrcp.f32 v18;
	v17 =	vmax.f32 v17, $1.000000010e-10  }
0x78: {  	v18 =	vsub.f32 v54, v14;
	v29 =	vmax.f32 v29, $1.000000010e-10;
	v33 =	vmax.f32 v1, v25  }
0x79: {  	v19 =	vld [tilespmem:s17+$0x660];
	v57 =	vmin.f32 v7, v21;
	v15 =	vmax.f32 v15, $1.000000010e-10;
	v37 =	vmax.f32 v2, v25  }
0x7a: {  	v60 =	vmin.f32 v8, v21;
	v62 =	vmin.f32 v7, v31;
	(erf) = vrcp.f32 v22  }
0x7b: {  	v25 =	vld [tilespmem:s17+$0x640];
	v59 =	vmax.f32 v3, v20;
	v61 =	vmax.f32 v4, v20;
	(erf) = vrcp.f32 v17  }
0x7c: {  	v22 =	vld [tilespmem:s17+$0x10];
	v17 =	vmax.f32 v18, $1.000000010e-10;
	v18 =	vmax.f32 v2, v30;
	(erf) = vrcp.f32 v29  }
0x7d: {  	s23 =	simm.s32 $0x60;
	v53 =	vsub.f32 v57, v59;
	v56 =	vsub.f32 v60, v61;
	v29 =	vld [tilespmem:s17+$0x12D0];
	(erf) = vrcp.f32 v17  }
0x7e: {  	s20 =	simm.s32 $0x70;
	s23 =	sand.u32 $0x7E0, s23;
	v17 =	vmax.f32 v1, v30;
	v63 =	vmax.f32 v3, v19;
	v30 =	vmin.f32 v8, v31  }
0x7f: {  	s25 =	simm.s32 $0x50;
	s30 =	sand.u32 $0x7F0, s20;
	v61 =	vld [tilespmem:s23+$0xE80];
	v31 =	vmax.f32 v4, v19;
	v39 =	vmax.f32 v53, $0.0e+00;
	(erf) = vrcp.f32 v15  }
0x80: {  	s25 =	sand.u32 $0x7D0, s25;
	v15 =	vld [tilespmem:s30+$0x1B00];
	v48 =	vmax.f32 v3, v25;
	v58 =	vsub.f32 v62, v63;
	v60 =	vsub.f32 v30, v31  }
0x81: {  	v25 =	vmax.f32 v4, v25;
	v62 =	vld [tilespmem:s25+$0xE80];
	v21 =	vmax.f32 v1, v22;
	v22 =	vmax.f32 v2, v22;
	v20 =	vpop (erf)  }
0x82: {  	v38 =	vmax.f32 v58, $0.0e+00;
	v52 =	vpop (erf);
	v43 =	vmin.f32 v7, v29;
	v29 =	vmin.f32 v8, v29  }
0x83: {  	v23 =	vmul.f32 v20, v23;
	v45 =	vpop (erf);
	v30 =	vsub.f32 v43, v44;
	v31 =	vsub.f32 v29, v32  }
0x84: {  	s18 =	simm.s32 $0x21A0;
	v42 =	vmul.f32 v52, v13;
	v32 =	vsub.f32 v46, v48;
	v29 =	vsub.f32 v35, v25;
	v47 =	vpop (erf)  }
0x85: {  	v49 =	vld [tilespmem:s18+$0xFFFFFFE0];
	v44 =	vmin.f32 v5, v61;
	v19 =	vadd.f32 v15, v9;
	v24 =	vmul.f32 v45, v24;
	v50 =	vpop (erf)  }
0x86: {  	v20 =	vadd.f32 v15, v10;
	v43 =	vmin.f32 v5, v62;
	v13 =	vpop (erf);
	v15 =	vmul.f32 v50, v26  }
0x87: {  	v40 =	vmin.f32 v6, v62;
	v45 =	vmin.f32 v6, v61;
	v26 =	vld [tilespmem:s18+$0xFFFFFFF0];
	v13 =	vmul.f32 v13, v27;
	v27 =	vpop (erf)  }
0x88: {  	v16 =	vmul.f32 v47, v16;
	v14 =	vmul.f32 v27, v14;
	v27 =	vpop (erf);
	vm0 =	vgt.f32 v15, v12  }
0x89: {  	s31 =	simm.s32 $0x40;
	vm1 =	vgt.f32 v13, v12;
	v27 =	vmul.f32 v27, v28;
	v28 =	vld [tilespmem:s18+$0x0];
	v15 =	vsel vm0, v15, v12  }
0x8a: {  	s19 =	sand.u32 $0x7C0, s31;
	v55 =	vld [tilespmem:s18+$0x10];
	v12 =	vsel vm1, v13, v12;
	v13 =	vsel vm1, v49, v11;
	vm13 =	vgt.f32 v14, v15  }
0x8b: {  	v63 =	vld [tilespmem:s19+$0xE80];
	v54 =	vsel vm1, s14, v11;
	vm2 =	vgt.f32 v27, v12;
	v14 =	vsel vm13, v14, v15  }
0x8c: {  	s21 =	simm.s32 $0x1;
	v12 =	vsel vm2, v27, v12;
	v13 =	vsel vm2, v26, v13;
	vm14 =	vgt.f32 v24, v14  }
0x8d: {  	v59 =	vld [tilespmem:s19+$0x1B00];
	v15 =	vsel vm2, s21, v54;
	vm3 =	vgt.f32 v16, v12;
	v14 =	vsel vm14, v24, v14  }
0x8e: {  	s22 =	simm.s32 $0x2;
	v27 =	vld [tilespmem:s17+$0x0];
	v12 =	vsel vm3, v16, v12;
	v16 =	vsel vm3, v28, v13;
	vm15 =	vgt.f32 v23, v14  }
0x8f: {  	s24 =	simm.s32 $0x3;
	v24 =	vsel vm3, s22, v15;
	vm4 =	vgt.f32 v42, v12;
	v13 =	vsel vm15, v23, v14;
	v23 =	vld [tilespmem:s30+$0xE80]  }
0x90: {  	v46 =	vmin.f32 v5, v63;
	v15 =	vsel vm4, v55, v16;
	v16 =	vsel vm4, s24, v24;
	v24 =	vld [tilespmem:s23+$0x1B00]  }
0x91: {  	v14 =	vsel vm4, v42, v12;
	v12 =	vsel vm0, s14, v11;
	v11 =	vsel vm0, v49, v11  }
0x92: {  	v57 =	vld [tilespmem:s25+$0x1B00];
	v41 =	vmin.f32 v6, v63;
	v12 =	vsel vm13, s21, v12;
	v11 =	vsel vm13, v26, v11  }
0x93: {  	v35 =	vmax.f32 v1, v27;
	v36 =	vmax.f32 v2, v27;
	v12 =	vsel vm14, s22, v12  }
0x94: {  	v27 =	vadd.f32 v59, v10;
	v26 =	vsel vm14, v28, v11;
	v11 =	vsel vm15, s24, v12  }
0x95: {  	v12 =	vsel vm15, v55, v26;
	v28 =	vmin.f32 v5, v23;
	v26 =	vadd.f32 v24, v9  }
0x96: {  	v23 =	vmin.f32 v6, v23;
	v25 =	vadd.f32 v24, v10;
	v33 =	vsub.f32 v28, v33  }
0x97: {  	v42 =	vmax.f32 v56, $0.0e+00;
	v34 =	vsub.f32 v23, v37;
	v24 =	vadd.f32 v57, v9  }
0x98: {  	s19 =	sor.u32 $0x10, s16;
	s21 =	simm.s32 $0x4;
	s22 =	simm.s32 $0x8;
	v23 =	vadd.f32 v57, v10;
	v28 =	vadd.f32 v59, v9;
	v37 =	vmax.f32 v60, $0.0e+00  }
.LBB2_5:
0x99: {  	p0 =	slt.u32 s22, $0x60;
	v30 =	vmax.f32 v30, $0.0e+00;
	v31 =	vmax.f32 v31, $0.0e+00;
	v17 =	vsub.f32 v44, v17  }
0x9a: {  	v32 =	vmax.f32 v32, $0.0e+00;
	v21 =	vsub.f32 v43, v21;
	v18 =	vsub.f32 v45, v18  }
0x9b: {  	v35 =	vsub.f32 v46, v35;
	v29 =	vmax.f32 v29, $0.0e+00;
	v22 =	vsub.f32 v40, v22  }
0x9c: {  	v36 =	vsub.f32 v41, v36;
	v33 =	vmax.f32 v33, $0.0e+00;
	v34 =	vmax.f32 v34, $0.0e+00  }
0x9d: {  	v33 =	vmul.f32 v39, v33;
	v34 =	vmul.f32 v42, v34;
	v17 =	vmax.f32 v17, $0.0e+00  }
0x9e: {  	v21 =	vmax.f32 v21, $0.0e+00;
	v22 =	vmax.f32 v22, $0.0e+00;
	v18 =	vmax.f32 v18, $0.0e+00  }
0x9f: {  	v35 =	vmax.f32 v35, $0.0e+00;
	v36 =	vmax.f32 v36, $0.0e+00;
	v38 =	vmul.f32 v38, v17  }
0xa0: {  	s17 =	sadd.s32 $0x40, s17;
	v30 =	vmul.f32 v30, v21;
	v37 =	vmul.f32 v37, v18;
	v17 =	vsub.f32 v19, v33  }
0xa1: {  	v32 =	vmul.f32 v32, v35;
	v31 =	vmul.f32 v31, v22;
	v19 =	vsub.f32 v20, v34;
	v18 =	vld [tilespmem:s17+$0x30]  }
0xa2: {  	v29 =	vmul.f32 v29, v36;
	v21 =	vsub.f32 v26, v38;
	v17 =	vmax.f32 v17, $1.000000010e-10;
	v20 =	vld [tilespmem:s17+$0x670]  }
0xa3: {  	v25 =	vsub.f32 v25, v37;
	v19 =	vmax.f32 v19, $1.000000010e-10;
	v22 =	vld [tilespmem:s17+$0x12F0];
	(erf) = vrcp.f32 v17  }
0xa4: {  	v21 =	vmax.f32 v21, $1.000000010e-10;
	v17 =	vsub.f32 v28, v32;
	v26 =	vld [tilespmem:s17+$0x20];
	(erf) = vrcp.f32 v19  }
0xa5: {  	v27 =	vsub.f32 v27, v29;
	v25 =	vmax.f32 v25, $1.000000010e-10;
	v19 =	vld [tilespmem:s17+$0x660];
	(erf) = vrcp.f32 v21  }
0xa6: {  	v17 =	vmax.f32 v17, $1.000000010e-10;
	v21 =	vsub.f32 v24, v30;
	v28 =	vld [tilespmem:s17+$0x12E0];
	(erf) = vrcp.f32 v25  }
0xa7: {  	v24 =	vmax.f32 v27, $1.000000010e-10;
	v27 =	vsub.f32 v23, v31;
	v25 =	vld [tilespmem:s17+$0x10];
	(erf) = vrcp.f32 v17  }
0xa8: {  	v23 =	vmax.f32 v1, v18;
	v17 =	vmax.f32 v21, $1.000000010e-10;
	v35 =	vld [tilespmem:s17+$0x650];
	(erf) = vrcp.f32 v24  }
0xa9: {  	v21 =	vmax.f32 v27, $1.000000010e-10;
	v39 =	vmin.f32 v7, v22;
	v36 =	vld [tilespmem:s17+$0x12D0];
	(erf) = vrcp.f32 v17  }
0xaa: {  	s20 =	sadd.s32 $0x40, s20;
	v40 =	vmax.f32 v3, v20;
	v24 =	vmax.f32 v2, v18;
	v27 =	vld [tilespmem:s17+$0x12C0];
	(erf) = vrcp.f32 v21  }
0xab: {  	s23 =	sand.u32 $0x7F0, s20;
	v43 =	vmax.f32 v4, v20;
	v42 =	vmin.f32 v8, v22;
	v17 =	vmax.f32 v1, v26;
	v41 =	vld [tilespmem:s17+$0x640]  }
0xac: {  	v18 =	vmax.f32 v2, v26;
	v45 =	vmax.f32 v3, v19;
	v44 =	vmin.f32 v7, v28;
	v20 =	vld [tilespmem:s23+$0x1B00];
	v26 =	vpop (erf)  }
0xad: {  	v46 =	vmax.f32 v4, v19;
	v28 =	vmin.f32 v8, v28;
	v21 =	vmax.f32 v1, v25;
	v47 =	vpop (erf)  }
0xae: {  	v22 =	vmax.f32 v2, v25;
	v49 =	vmax.f32 v3, v35;
	v48 =	vmin.f32 v7, v36;
	v25 =	vpop (erf)  }
0xaf: {  	s18 =	sadd.s32 $0x40, s18;
	v35 =	vmax.f32 v4, v35;
	v36 =	vmin.f32 v8, v36;
	v50 =	vmin.f32 v7, v27;
	v51 =	vpop (erf)  }
0xb0: {  	v26 =	vmul.f32 v26, v33;
	v27 =	vmin.f32 v8, v27;
	v52 =	vmax.f32 v3, v41;
	v53 =	vld [tilespmem:s18+$0xFFFFFFE0];
	v33 =	vpop (erf)  }
0xb1: {  	v34 =	vmul.f32 v47, v34;
	v25 =	vmul.f32 v25, v38;
	v19 =	vadd.f32 v20, v9;
	v38 =	vpop (erf)  }
0xb2: {  	v20 =	vadd.f32 v20, v10;
	v32 =	vmul.f32 v33, v32;
	v29 =	vmul.f32 v38, v29;
	v33 =	vld [tilespmem:s18+$0xFFFFFFF0];
	v38 =	vpop (erf)  }
0xb3: {  	v39 =	vsub.f32 v39, v40;
	v37 =	vmul.f32 v51, v37;
	v30 =	vmul.f32 v38, v30;
	v38 =	vpop (erf)  }
0xb4: {  	vm0 =	vgt.f32 v32, v13;
	vm1 =	vgt.f32 v29, v14;
	v31 =	vmul.f32 v38, v31;
	v38 =	vld [tilespmem:s18+$0x0]  }
0xb5: {  	v13 =	vsel vm0, v32, v13;
	v14 =	vsel vm1, v29, v14;
	v15 =	vsel vm1, v53, v15  }
0xb6: {  	v16 =	vsel vm1, s21, v16;
	vm1 =	vgt.f32 v30, v13;
	vm2 =	vgt.f32 v31, v14;
	v29 =	vld [tilespmem:s18+$0x10]  }
0xb7: {  	s24 =	sadd.s32 $0x1, s21;
	v13 =	vsel vm1, v30, v13;
	v14 =	vsel vm2, v31, v14;
	v15 =	vsel vm2, v33, v15  }
0xb8: {  	v16 =	vsel vm2, s24, v16;
	vm2 =	vgt.f32 v25, v13;
	vm3 =	vgt.f32 v37, v14  }
0xb9: {  	s25 =	sadd.s32 $0x2, s21;
	v13 =	vsel vm2, v25, v13;
	v14 =	vsel vm3, v37, v14;
	v15 =	vsel vm3, v38, v15  }
0xba: {  	v16 =	vsel vm3, s25, v16;
	vm3 =	vgt.f32 v26, v13;
	vm4 =	vgt.f32 v34, v14  }
0xbb: {  	s28 =	sadd.s32 $0x3, s21;
	s26 =	sadd.s32 $0xFFFFFFF0, s20;
	v13 =	vsel vm3, v26, v13;
	v37 =	vld [tilespmem:s17+$0x0];
	v14 =	vsel vm4, v34, v14;
	v15 =	vsel vm4, v29, v15  }
0xbc: {  	s29 =	sadd.s32 $0xFFFFFFE0, s20;
	s26 =	sand.u32 $0x7E0, s26;
	v11 =	vsel vm0, s21, v11;
	v12 =	vsel vm0, v53, v12;
	s21 =	smov.u32 s22;
	v16 =	vsel vm4, s28, v16;
	v34 =	vld [tilespmem:s23+$0xE80]  }
0xbd: {  	s29 =	sand.u32 $0x7D0, s29;
	v42 =	vsub.f32 v42, v43;
	v11 =	vsel vm1, s24, v11;
	v12 =	vsel vm1, v33, v12;
	s23 =	sadd.s32 $0xFFFFFFD0, s20;
	v25 =	vld [tilespmem:s26+$0x1B00]  }
0xbe: {  	v47 =	vsub.f32 v44, v45;
	v11 =	vsel vm2, s25, v11;
	v12 =	vsel vm2, v38, v12;
	s23 =	sand.u32 $0x7C0, s23;
	v40 =	vld [tilespmem:s29+$0x1B00]  }
0xbf: {  	v51 =	vsub.f32 v28, v46;
	v11 =	vsel vm3, s28, v11;
	v12 =	vsel vm3, v29, v12;
	v38 =	vld [tilespmem:s23+$0x1B00]  }
0xc0: {  	v30 =	vsub.f32 v48, v49;
	v31 =	vsub.f32 v36, v35;
	v26 =	vmax.f32 v4, v41;
	v41 =	vld [tilespmem:s26+$0xE80]  }
0xc1: {  	v32 =	vsub.f32 v50, v52;
	v29 =	vsub.f32 v27, v26;
	v45 =	vld [tilespmem:s29+$0xE80];
	v27 =	vmin.f32 v5, v34  }
0xc2: {  	v28 =	vmin.f32 v6, v34;
	v48 =	vld [tilespmem:s23+$0xE80];
	v26 =	vadd.f32 v25, v9;
	v25 =	vadd.f32 v25, v10  }
0xc3: {  	v35 =	vmax.f32 v1, v37;
	v33 =	vsub.f32 v27, v23;
	v34 =	vsub.f32 v28, v24  }
.Ltmp1:
0xc4: {  	v36 =	vmax.f32 v2, v37;
	v24 =	vadd.f32 v40, v9;
	v23 =	vadd.f32 v40, v10;
	(pc) =	sbr.rel @p0 .LBB2_5-.Ltmp1, $4  }
0xc5: {  	v28 =	vadd.f32 v38, v9;
	v27 =	vadd.f32 v38, v10;
	v44 =	vmin.f32 v5, v41  }
0xc6: {  	v43 =	vmin.f32 v5, v45;
	v40 =	vmin.f32 v6, v45;
	v45 =	vmin.f32 v6, v41  }
0xc7: {  	v39 =	vmax.f32 v39, $0.0e+00;
	v46 =	vmin.f32 v5, v48;
	v41 =	vmin.f32 v6, v48  }
0xc8: {  	v42 =	vmax.f32 v42, $0.0e+00;
	s22 =	sadd.s32 $0x4, s22;
	v37 =	vmax.f32 v51, $0.0e+00;
	v38 =	vmax.f32 v47, $0.0e+00  }
0xc9: {  	v1 =	vmax.f32 v30, $0.0e+00;
	v2 =	vmax.f32 v31, $0.0e+00;
	v3 =	vsub.f32 v44, v17  }
0xca: {  	v4 =	vmax.f32 v32, $0.0e+00;
	v5 =	vsub.f32 v43, v21;
	v6 =	vsub.f32 v45, v18  }
0xcb: {  	v7 =	vsub.f32 v46, v35;
	v8 =	vmax.f32 v29, $0.0e+00;
	v9 =	vsub.f32 v40, v22  }
0xcc: {  	v10 =	vsub.f32 v41, v36;
	v30 =	vmax.f32 v33, $0.0e+00;
	v31 =	vmax.f32 v34, $0.0e+00  }
0xcd: {  	v17 =	vmul.f32 v39, v30;
	v18 =	vmul.f32 v42, v31;
	v3 =	vmax.f32 v3, $0.0e+00  }
0xce: {  	v5 =	vmax.f32 v5, $0.0e+00;
	v9 =	vmax.f32 v9, $0.0e+00;
	v6 =	vmax.f32 v6, $0.0e+00  }
0xcf: {  	v7 =	vmax.f32 v7, $0.0e+00;
	v10 =	vmax.f32 v10, $0.0e+00;
	v3 =	vmul.f32 v38, v3  }
0xd0: {  	v1 =	vmul.f32 v1, v5;
	v32 =	vmul.f32 v37, v6;
	v33 =	vsub.f32 v19, v17  }
0xd1: {  	v4 =	vmul.f32 v4, v7;
	v2 =	vmul.f32 v2, v9;
	v34 =	vsub.f32 v20, v18  }
0xd2: {  	v8 =	vmul.f32 v8, v10;
	v35 =	vsub.f32 v26, v3;
	v6 =	vmax.f32 v33, $1.000000010e-10  }
0xd3: {  	v36 =	vsub.f32 v25, v32;
	v7 =	vmax.f32 v34, $1.000000010e-10;
	(erf) = vrcp.f32 v6  }
0xd4: {  	v37 =	vsub.f32 v28, v4;
	v9 =	vmax.f32 v35, $1.000000010e-10;
	(erf) = vrcp.f32 v7  }
0xd5: {  	v38 =	vsub.f32 v27, v8;
	v10 =	vmax.f32 v36, $1.000000010e-10;
	(erf) = vrcp.f32 v9  }
0xd6: {  	v39 =	vsub.f32 v24, v1;
	v6 =	vmax.f32 v37, $1.000000010e-10;
	(erf) = vrcp.f32 v10  }
0xd7: {  	v40 =	vsub.f32 v23, v2;
	v7 =	vmax.f32 v38, $1.000000010e-10;
	(erf) = vrcp.f32 v6  }
0xd8: {  	v41 =	vmax.f32 v39, $1.000000010e-10;
	(erf) = vrcp.f32 v7  }
0xd9: {  	v42 =	vmax.f32 v40, $1.000000010e-10;
	(erf) = vrcp.f32 v41  }
0xda: {  	(erf) = vrcp.f32 v42;
	_ =	sdelay $0x1  }
0xdb: {  	v43 =	vpop (erf)  }
0xdc: {  	v44 =	vpop (erf)  }
0xdd: {  	v45 =	vpop (erf)  }
0xde: {  	s17 =	sadd.s32 $0x40, s18;
	v46 =	vpop (erf)  }
0xdf: {  	v47 =	vld [tilespmem:s17+$0xFFFFFFE0];
	v6 =	vmul.f32 v43, v17;
	v48 =	vpop (erf)  }
0xe0: {  	v7 =	vmul.f32 v44, v18;
	v49 =	vpop (erf);
	v4 =	vmul.f32 v48, v4  }
0xe1: {  	v3 =	vmul.f32 v45, v3;
	v8 =	vmul.f32 v49, v8;
	v51 =	vpop (erf)  }
0xe2: {  	v50 =	vld [tilespmem:s17+$0xFFFFFFF0];
	v5 =	vmul.f32 v46, v32;
	v1 =	vmul.f32 v51, v1;
	v52 =	vpop (erf);
	vm1 =	vgt.f32 v4, v13  }
0xe3: {  	vm0 =	vgt.f32 v8, v14;
	v2 =	vmul.f32 v52, v2;
	v4 =	vsel vm1, v4, v13  }
0xe4: {  	v59 =	vsel vm1, s21, v11;
	v60 =	vsel vm1, v47, v12;
	v8 =	vsel vm0, v8, v14  }
0xe5: {  	s30 =	sadd.s32 $0x1, s21;
	v53 =	vsel vm0, v47, v15;
	vm2 =	vgt.f32 v1, v4;
	v54 =	vsel vm0, s21, v16  }
0xe6: {  	vm9 =	vgt.f32 v2, v8;
	v1 =	vsel vm2, v1, v4;
	v61 =	vsel vm2, s30, v59  }
0xe7: {  	v56 =	vld [tilespmem:s17+$0x0];
	v62 =	vsel vm2, v50, v60;
	v2 =	vsel vm9, v2, v8;
	vm3 =	vgt.f32 v3, v1  }
0xe8: {  	v55 =	vsel vm9, v50, v53;
	vm10 =	vgt.f32 v5, v2;
	v1 =	vsel vm3, v3, v1  }
0xe9: {  	s20 =	sadd.s32 $0x2, s21;
	v58 =	vld [tilespmem:s17+$0x10];
	v57 =	vsel vm9, s30, v54;
	v2 =	vsel vm10, v5, v2;
	vm4 =	vgt.f32 v6, v1  }
0xea: {  	v3 =	vsel vm10, s20, v57;
	vm11 =	vgt.f32 v7, v2;
	v1 =	vsel vm4, v6, v1  }
0xeb: {  	s31 =	sadd.s32 $0x3, s21;
	v6 =	vsel vm3, s20, v61;
	v2 =	vsel vm11, v7, v2;
	vm12 =	vlt.f32 v1, $4.000000060e-01  }
0xec: {  	v7 =	vsel vm3, v56, v62;
	v6 =	vsel vm4, s31, v6;
	vm13 =	vgt.f32 v1, $5.000000000e-01  }
0xed: {  	v3 =	vsel vm11, s31, v3;
	vm2 =	vmneg vm12;
	v6 =	vadd.s32 $0x1, v6  }
0xee: {  	s15 =	sadd.s32 $0x1, s15;
	v7 =	vsel vm4, v58, v7;
	vm14 =	vlt.f32 v2, $4.000000060e-01;
	vm15 =	vgt.f32 v2, $5.000000000e-01  }
0xef: {  	p0 =	sne.s32 s15, $0x4;
	[tilespmem:s16+$0x2880] =	vst v1;
	v63 =	vsel vm2, $0xFFFFFFFF, v0;
	v7 =	vnsel vm13, $0xFFFFFFFF, v7;
	vm2 =	vmneg vm14  }
.Ltmp2:
0xf0: {  	v1 =	vadd.s32 $0x1, v3;
	v6 =	vsel vm13, v6, v63;
	v3 =	vsel vm2, $0xFFFFFFFF, v0;
	[tilespmem:s16+$0x2900] =	vst v7;
	(pc) =	sbr.rel @p0 .LBB2_4-.Ltmp2, $4  }
0xf1: {  	v4 =	vsel vm10, v56, v55;
	[tilespmem:s16+$0x2800] =	vst v6;
	v1 =	vsel vm15, v1, v3  }
0xf2: {  	v3 =	vsel vm11, v58, v4;
	[tilespmem:s19+$0x2800] =	vst v1  }
0xf3: {  	v1 =	vnsel vm15, $0xFFFFFFFF, v3;
	[tilespmem:s19+$0x2880] =	vst v2  }
0xf4: {  	[tilespmem:s19+$0x2900] =	vst v1  }
0xf5: {  	[hbm4b:s5+s3] =	stream.linear.scatter [tilespmem:s10], [sflag:$0x1], $0x80, $0x38;
	[tilespmem:$0x2D00] =	vst v63  }
0xf6: {  	_ =	swait.ge [sflag:s9], $0x80  }
0xf7: {  	[sflag:s9] =	ssyncset.done $0x0  }
0xf8: {  	[sflag:s9] =	ssyncadd.s32 $0xFFFFFF80  }
0xf9: {  	[hbm4b:s6+s3] =	stream.linear.scatter [tilespmem:s11], [sflag:$0x1], $0x80, $0x38;
	[tilespmem:$0x2D00] =	vst v63  }
0xfa: {  	s13 =	sadd.s32 $0x1, s13;
	_ =	swait.ge [sflag:s9], $0x80  }
0xfb: {  	p0 =	sne.s32 s13, s8;
	[sflag:s9] =	ssyncset.done $0x0  }
.Ltmp3:
0xfc: {  	[sflag:s9] =	ssyncadd.s32 $0xFFFFFF80;
	(pc) =	sbr.rel @p0 .LBB2_1-.Ltmp3, $4  }
0xfd: {  	[hbm4b:s7+s3] =	stream.linear.scatter [tilespmem:s12], [sflag:$0x1], $0x80, $0x38;
	[tilespmem:$0x2D00] =	vst v63  }
0xfe: {  	_ =	swait.ge [sflag:s9], $0x80  }
0xff: {  	[sflag:s9] =	ssyncset.done $0x0  }
0x100: {  	[sflag:s9] =	ssyncadd.s32 $0xFFFFFF80  }
0x101: {  	_ =	sfence.sel $0x180000  }
0x102: {  	[bflag:$0x0] =	sbarrier.arrive $0xFFFF  }
0x103: {  	p0 =	sne.s32 s2, $0x0;
	_ =	strace $0x90000047  }
0x104: {  	s0 =	sadd.s32 @!p0 $0x100000, s0;
	[bflag:$0x2] =	sbarrier.arrive $0xFFFF  }
0x105: {  	[sflag:s0] =	ssyncadd.tile.s32 @!p0 $0x1;
	_ =	shalt  }
.Lfunc_end2:
_tile_overlayer_lowered:
.L_overlay_start_2:
0x106: {  	(tag) =	ssettag $0x2  }
0x107: {  	s0 =	rddreg [dreg:$0x0];
	s2 =	stileid.u32  }
0x108: {  	s1 =	rddreg [dreg:$0x1];
	p0 =	sne.s32 s2, $0x0  }
0x109: {  	s3 =	rddreg [dreg:$0x2];
	[bflag:$0x3] =	sbarrier.arrive $0xFFFF;
	s2 =	simm.s32 @!p0 $0x1C01  }
0x10a: {  	[timem:s3], [sflag:s2] =	dma.local @!p0 [hbm:s0], s1  }
0x10b: {  	s0 =	simm.s32 @!p0 $0x1  }
0x10c: {  	_ =	swait.ge @!p0 [sflag:s0], s1  }
0x10d: {  	s1 =	ssub.s32 @!p0 $0x0, s1;
	[sflag:s0] =	ssyncset.done @!p0 $0x0  }
0x10e: {  	[sflag:s0] =	ssyncadd.s32 @!p0 s1  }
0x10f: {  	[bflag:$0x3] =	sbarrier.arrive $0xFFFF  }
0x110: {  	_ =	shalt  }

</sc_bundles>
